<compile_context>
chip_gen: v7x
topology: tpu7x:2x2x1
jax: 0.10.2.dev20260603
libtpu: 0.0.44.dev20260713+nightly
codegen_flags: <defaults>
</compile_context>

<pallas_src>
import functools

import jax
import jax.numpy as jnp
from jax import lax
from jax.experimental import pallas as pl
from jax.experimental.pallas import tpu as pltpu

_N_ANCHORS = 20000
_PRE = 6000
_NPAD = 6144
_BLK = 512
_NBLK = _NPAD // _BLK
_PROP = 1000
_PROP_PAD = 1024
_THR = 0.7
_STD = (0.1, 0.1, 0.2, 0.2)


def _iota1d(n, dtype=jnp.int32):
    return lax.broadcasted_iota(dtype, (1, n), 1)[0]


def _iou_tile(xr1, yr1, xr2, yr2, ar, xc1, yc1, xc2, yc2, ac):
    ix1 = jnp.maximum(xr1[:, None], xc1[None, :])
    iy1 = jnp.maximum(yr1[:, None], yc1[None, :])
    ix2 = jnp.minimum(xr2[:, None], xc2[None, :])
    iy2 = jnp.minimum(yr2[:, None], yc2[None, :])
    inter = jnp.maximum(ix2 - ix1, 0.0) * jnp.maximum(iy2 - iy1, 0.0)
    union = ar[:, None] + ac[None, :] - inter
    return inter / jnp.maximum(union, 1e-12)


def _nms_kernel(a_ref, d_ref, out_ref, st_ref):
    f32 = jnp.float32

    ax1 = a_ref[0, 0, :]
    ay1 = a_ref[0, 1, :]
    ax2 = a_ref[0, 2, :]
    ay2 = a_ref[0, 3, :]
    d0 = d_ref[0, 0, :]
    d1 = d_ref[0, 1, :]
    e2 = d_ref[0, 2, :]
    e3 = d_ref[0, 3, :]

    w = ax2 - ax1
    h = ay2 - ay1
    cx = ax1 + 0.5 * w
    cy = ay1 + 0.5 * h
    cx = cx + d0 * w
    cy = cy + d1 * h
    w = w * e2
    h = h * e3
    nx1 = cx - 0.5 * w
    ny1 = cy - 0.5 * h
    nx2 = nx1 + w
    ny2 = ny1 + h
    x1 = jnp.clip(nx1, 0.0, 1.0)
    y1 = jnp.clip(ny1, 0.0, 1.0)
    x2 = jnp.clip(nx2, 0.0, 1.0)
    y2 = jnp.clip(ny2, 0.0, 1.0)
    area = jnp.maximum(x2 - x1, 0.0) * jnp.maximum(y2 - y1, 0.0)

    st_ref[0, :] = x1
    st_ref[1, :] = y1
    st_ref[2, :] = x2
    st_ref[3, :] = y2
    st_ref[4, :] = area
    st_ref[6, :] = jnp.zeros((_NPAD,), f32)

    rix = lax.broadcasted_iota(jnp.int32, (_BLK, _BLK), 0)
    cix = lax.broadcasted_iota(jnp.int32, (_BLK, _BLK), 1)
    upper = (rix < cix).astype(f32)

    def blk_body(k, _):
        done = jnp.sum(st_ref[6, :]) >= jnp.float32(_PROP)

        @pl.when(jnp.logical_not(done))
        def _process():
            s0 = pl.multiple_of(k * _BLK, _BLK)
            ds = pl.ds(s0, _BLK)
            xc1 = st_ref[0, ds]
            yc1 = st_ref[1, ds]
            xc2 = st_ref[2, ds]
            yc2 = st_ref[3, ds]
            ac = st_ref[4, ds]
            gidx = s0 + _iota1d(_BLK)
            valid = (gidx < _PRE).astype(f32)

            def pull(j, supc):
                dc = pl.ds(pl.multiple_of(j * _BLK, _BLK), _BLK)
                iou_jk = _iou_tile(
                    st_ref[0, dc], st_ref[1, dc], st_ref[2, dc],
                    st_ref[3, dc], st_ref[4, dc],
                    xc1, yc1, xc2, yc2, ac,
                )
                m = (iou_jk > _THR).astype(f32)
                s_j = st_ref[6, dc].reshape(1, _BLK)
                hit = jnp.dot(s_j, m, preferred_element_type=f32)
                return jnp.maximum(supc, (hit > 0.0).astype(f32))

            sup = lax.fori_loop(0, k, pull, jnp.zeros((1, _BLK), f32))
            alive = (1.0 - sup) * valid.reshape(1, _BLK)

            iou_kk = _iou_tile(xc1, yc1, xc2, yc2, ac,
                               xc1, yc1, xc2, yc2, ac)
            ms = (iou_kk > _THR).astype(f32) * upper

            def w_cond(c):
                _, changed, it = c
                return jnp.logical_and(changed, it < _BLK + 2)

            def w_body(c):
                s, _, it = c
                hit = jnp.dot(s, ms, preferred_element_type=f32)
                s2 = alive * (hit <= 0.0).astype(f32)
                return (s2, jnp.any(s2 != s), it + 1)

            s_fin, _, _ = lax.while_loop(
                w_cond, w_body, (alive, jnp.bool_(True), jnp.int32(0))
            )
            st_ref[6, ds] = s_fin[0]

        return 0

    lax.fori_loop(0, _NBLK, blk_body, 0)

    tri = (rix <= cix).astype(f32)

    def cs_body(k, off):
        ds = pl.ds(pl.multiple_of(k * _BLK, _BLK), _BLK)
        s = st_ref[6, ds].reshape(1, _BLK)
        c = jnp.dot(s, tri, preferred_element_type=f32) + off
        st_ref[7, ds] = c[0]
        return off + jnp.sum(s)

    lax.fori_loop(0, _NBLK, cs_body, jnp.float32(0.0))

    jio = lax.broadcasted_iota(jnp.int32, (_PROP_PAD, _BLK), 0).astype(f32) + 1.0

    def acc_body(k, carry):
        acc, off = carry
        ds = pl.ds(pl.multiple_of(k * _BLK, _BLK), _BLK)
        sb = st_ref[6, ds].reshape(1, _BLK)

        def live(_):
            cb = st_ref[7, ds].reshape(1, _BLK)
            e = (jio == cb).astype(f32) * sb
            boxes = jnp.concatenate(
                [st_ref[0, ds][:, None], st_ref[1, ds][:, None],
                 st_ref[2, ds][:, None], st_ref[3, ds][:, None]], axis=1)
            return acc + jnp.dot(e, boxes, preferred_element_type=f32,
                                 precision=lax.Precision.HIGHEST)

        acc2 = lax.cond(off < jnp.float32(_PROP), live, lambda _: acc, 0)
        return (acc2, off + jnp.sum(sb))

    acc, _ = lax.fori_loop(
        0, _NBLK, acc_body, (jnp.zeros((_PROP_PAD, 4), f32), jnp.float32(0.0))
    )
    out_ref[0] = acc[:_PROP, :]


@functools.partial(jax.jit, static_argnames=("interpret",))
def _run(scores, deltas, anchors, interpret=False):
    fg = scores[:, :, 1]
    _, top_idx = lax.top_k(fg, _NPAD)
    dd = deltas * jnp.asarray(_STD, jnp.float32).reshape(1, 1, 4)
    d = jnp.take_along_axis(dd, top_idx[:, :, None], axis=1)
    d = jnp.concatenate([d[:, :, :2], jnp.exp(d[:, :, 2:])], axis=-1)
    a = jnp.take_along_axis(anchors, top_idx[:, :, None], axis=1)
    d_t = jnp.transpose(d, (0, 2, 1))
    a_t = jnp.transpose(a, (0, 2, 1))

    batch = scores.shape[0]
    out = pl.pallas_call(
        _nms_kernel,
        grid=(batch,),
        in_specs=[
            pl.BlockSpec((1, 4, _NPAD), lambda b: (b, 0, 0)),
            pl.BlockSpec((1, 4, _NPAD), lambda b: (b, 0, 0)),
        ],
        out_specs=pl.BlockSpec((1, _PROP, 4), lambda b: (b, 0, 0)),
        out_shape=jax.ShapeDtypeStruct((batch, _PROP, 4), jnp.float32),
        scratch_shapes=[pltpu.VMEM((8, _NPAD), jnp.float32)],
        interpret=interpret,
    )(a_t, d_t)
    return out


def kernel(scores, deltas, anchors):
    return _run(scores, deltas, anchors)

# --- scband reference (transcript-rebuilt; emitter-appended) ---
"""Pipeline reference for scband-proposal-layer-15238543966349 (READ-ONLY COPY).

The authoritative reference and input builder live on the scoring server;
editing this copy changes nothing except your own understanding.
"""

import jax, jax.numpy as jnp
import numpy as np

BATCH = 2
NUM_ANCHORS = 20000
PRE_NMS_LIMIT = 6000
PROPOSAL_COUNT = 1000
NMS_THRESHOLD = 0.7
RPN_STD = np.array([0.1, 0.1, 0.2, 0.2], dtype=np.float32)


def setup_inputs(seed: int = 0):
    key = jax.random.key(seed)
    k1, k2, k3, k4 = jax.random.split(key, 4)
    scores = jax.random.uniform(k1, (BATCH, NUM_ANCHORS, 2), dtype=jnp.float32)
    deltas = jax.random.normal(k2, (BATCH, NUM_ANCHORS, 4), dtype=jnp.float32) * 0.5
    cxy = jax.random.uniform(k3, (BATCH, NUM_ANCHORS, 2), minval=0.05, maxval=0.95)
    wh = jax.random.uniform(k4, (BATCH, NUM_ANCHORS, 2), minval=0.02, maxval=0.3)
    anchors = jnp.clip(jnp.concatenate([cxy - wh / 2.0, cxy + wh / 2.0], axis=-1), 0.0, 1.0)
    return {"scores": scores, "deltas": deltas, "anchors": anchors}


def _apply_box_delta(boxes, deltas):
    x1, y1, x2, y2 = boxes[:, 0], boxes[:, 1], boxes[:, 2], boxes[:, 3]
    w = x2 - x1
    h = y2 - y1
    cx = x1 + 0.5 * w
    cy = y1 + 0.5 * h
    cx = cx + deltas[:, 0] * w
    cy = cy + deltas[:, 1] * h
    w = w * jnp.exp(deltas[:, 2])
    h = h * jnp.exp(deltas[:, 3])
    nx1 = cx - 0.5 * w
    ny1 = cy - 0.5 * h
    return jnp.stack([nx1, ny1, nx1 + w, ny1 + h], axis=1)


def _iou_matrix(boxes):
    x1, y1, x2, y2 = boxes[:, 0], boxes[:, 1], boxes[:, 2], boxes[:, 3]
    area = jnp.maximum(x2 - x1, 0.0) * jnp.maximum(y2 - y1, 0.0)
    ix1 = jnp.maximum(x1[:, None], x1[None, :])
    iy1 = jnp.maximum(y1[:, None], y1[None, :])
    ix2 = jnp.minimum(x2[:, None], x2[None, :])
    iy2 = jnp.minimum(y2[:, None], y2[None, :])
    inter = jnp.maximum(ix2 - ix1, 0.0) * jnp.maximum(iy2 - iy1, 0.0)
    union = area[:, None] + area[None, :] - inter
    return inter / jnp.maximum(union, 1e-12)


def _nms_pad(boxes, scores, proposal_count, iou_threshold):
    # Greedy NMS (matches tf.image.non_max_suppression) + zero padding to proposal_count.
    order = jnp.argsort(-scores)
    b = boxes[order]
    ious = _iou_matrix(jax.lax.stop_gradient(b))
    num = b.shape[0]

    def body(i, state):
        active, selected = state
        idx = jnp.argmax(active)  # highest-scoring still-active box (b is score-sorted)
        valid = active[idx]
        selected = selected.at[i].set(jnp.where(valid, idx.astype(jnp.int32), jnp.int32(-1)))
        suppress = ious[idx] > iou_threshold
        new_active = active & jnp.logical_not(suppress)
        active = jnp.where(valid, new_active, active)
        active = active.at[idx].set(False)
        return (active, selected)

    init = (jnp.ones((num,), dtype=bool), jnp.full((proposal_count,), -1, dtype=jnp.int32))
    _, selected = jax.lax.fori_loop(0, proposal_count, body, init)
    valid = selected >= 0
    gathered = b[jnp.maximum(selected, 0)]
    return jnp.where(valid[:, None], gathered, 0.0)


def reference(scores, deltas, anchors):
    fg_scores = scores[:, :, 1]
    deltas = deltas * jnp.asarray(RPN_STD).reshape(1, 1, 4)
    pre_limit = min(PRE_NMS_LIMIT, anchors.shape[1])
    top_scores, top_idx = jax.lax.top_k(fg_scores, pre_limit)
    outputs = []
    for i in range(BATCH):
        idx = top_idx[i]
        d = deltas[i][idx]
        a = anchors[i][idx]
        boxes = _apply_box_delta(a, d)
        boxes = jnp.clip(boxes, 0.0, 1.0)  # clip to normalized window [0, 0, 1, 1]
        outputs.append(_nms_pad(boxes, top_scores[i], PROPOSAL_COUNT, NMS_THRESHOLD))
    return jnp.stack(outputs, axis=0)

if __name__ == "__main__":
    import jax
    _d = setup_inputs()
    print(jax.jit(kernel)(*tuple(_d.values())))

</pallas_src>

<mosaic_0001>
module attributes {stable_mosaic.version = 14 : i64} {
  func.func @_nms_kernel(%arg0: i32, %arg1: memref<1x4x6144xf32, #tpu.memory_space<vmem>>, %arg2: memref<1x4x6144xf32, #tpu.memory_space<vmem>>, %arg3: memref<1x1000x4xf32, #tpu.memory_space<vmem>>, %arg4: memref<8x6144xf32, #tpu.memory_space<vmem>>) attributes {dimension_semantics = [#tpu.dimension_semantics<arbitrary>], iteration_bounds = array<i64: 2>, scalar_prefetch = 0 : i64, scratch_operands = 1 : i64, tpu.core_type = #tpu.core_type<tc>, window_params = [{transform_indices = @transform_0, window_bounds = array<i64: 1, 4, 6144>}, {transform_indices = @transform_1, window_bounds = array<i64: 1, 4, 6144>}, {transform_indices = @transform_2, window_bounds = array<i64: 1, 1000, 4>}]} {
    %get3A = arith.constant 0 : index
    %get3A_0 = arith.constant 0 : index
    %get3A_1 = arith.constant 0 : index
    %get3A_2 = vector.load %arg1[%get3A, %get3A_0, %get3A_1] : memref<1x4x6144xf32, #tpu.memory_space<vmem>>, vector<1x1x6144xf32>
    %get3A_3 = vector.shape_cast %get3A_2 : vector<1x1x6144xf32> to vector<6144xf32>
    %get3A_4 = arith.constant 0 : index
    %get3A_5 = arith.constant 1 : index
    %get3A_6 = arith.constant 0 : index
    %get3A_7 = vector.load %arg1[%get3A_4, %get3A_5, %get3A_6] : memref<1x4x6144xf32, #tpu.memory_space<vmem>>, vector<1x1x6144xf32>
    %get3A_8 = vector.shape_cast %get3A_7 : vector<1x1x6144xf32> to vector<6144xf32>
    %get3A_9 = arith.constant 0 : index
    %get3A_10 = arith.constant 2 : index
    %get3A_11 = arith.constant 0 : index
    %get3A_12 = vector.load %arg1[%get3A_9, %get3A_10, %get3A_11] : memref<1x4x6144xf32, #tpu.memory_space<vmem>>, vector<1x1x6144xf32>
    %get3A_13 = vector.shape_cast %get3A_12 : vector<1x1x6144xf32> to vector<6144xf32>
    %get3A_14 = arith.constant 0 : index
    %get3A_15 = arith.constant 3 : index
    %get3A_16 = arith.constant 0 : index
    %get3A_17 = vector.load %arg1[%get3A_14, %get3A_15, %get3A_16] : memref<1x4x6144xf32, #tpu.memory_space<vmem>>, vector<1x1x6144xf32>
    %get3A_18 = vector.shape_cast %get3A_17 : vector<1x1x6144xf32> to vector<6144xf32>
    %get3A_19 = arith.constant 0 : index
    %get3A_20 = arith.constant 0 : index
    %get3A_21 = arith.constant 0 : index
    %get3A_22 = vector.load %arg2[%get3A_19, %get3A_20, %get3A_21] : memref<1x4x6144xf32, #tpu.memory_space<vmem>>, vector<1x1x6144xf32>
    %get3A_23 = vector.shape_cast %get3A_22 : vector<1x1x6144xf32> to vector<6144xf32>
    %get3A_24 = arith.constant 0 : index
    %get3A_25 = arith.constant 1 : index
    %get3A_26 = arith.constant 0 : index
    %get3A_27 = vector.load %arg2[%get3A_24, %get3A_25, %get3A_26] : memref<1x4x6144xf32, #tpu.memory_space<vmem>>, vector<1x1x6144xf32>
    %get3A_28 = vector.shape_cast %get3A_27 : vector<1x1x6144xf32> to vector<6144xf32>
    %get3A_29 = arith.constant 0 : index
    %get3A_30 = arith.constant 2 : index
    %get3A_31 = arith.constant 0 : index
    %get3A_32 = vector.load %arg2[%get3A_29, %get3A_30, %get3A_31] : memref<1x4x6144xf32, #tpu.memory_space<vmem>>, vector<1x1x6144xf32>
    %get3A_33 = vector.shape_cast %get3A_32 : vector<1x1x6144xf32> to vector<6144xf32>
    %get3A_34 = arith.constant 0 : index
    %get3A_35 = arith.constant 3 : index
    %get3A_36 = arith.constant 0 : index
    %get3A_37 = vector.load %arg2[%get3A_34, %get3A_35, %get3A_36] : memref<1x4x6144xf32, #tpu.memory_space<vmem>>, vector<1x1x6144xf32>
    %get3A_38 = vector.shape_cast %get3A_37 : vector<1x1x6144xf32> to vector<6144xf32>
    %sub3A = arith.subf %get3A_13, %get3A_3 : vector<6144xf32>
    %sub3A_39 = arith.subf %get3A_18, %get3A_8 : vector<6144xf32>
    %mul3A = arith.constant 5.000000e-01 : f32
    %mul3A_40 = vector.broadcast %mul3A : f32 to vector<6144xf32>
    %mul3A_41 = arith.mulf %mul3A_40, %sub3A : vector<6144xf32>
    %add3A = arith.addf %get3A_3, %mul3A_41 : vector<6144xf32>
    %mul3A_42 = arith.constant 5.000000e-01 : f32
    %mul3A_43 = vector.broadcast %mul3A_42 : f32 to vector<6144xf32>
    %mul3A_44 = arith.mulf %mul3A_43, %sub3A_39 : vector<6144xf32>
    %add3A_45 = arith.addf %get3A_8, %mul3A_44 : vector<6144xf32>
    %mul3A_46 = arith.mulf %get3A_23, %sub3A : vector<6144xf32>
    %add3A_47 = arith.addf %add3A, %mul3A_46 : vector<6144xf32>
    %mul3A_48 = arith.mulf %get3A_28, %sub3A_39 : vector<6144xf32>
    %add3A_49 = arith.addf %add3A_45, %mul3A_48 : vector<6144xf32>
    %mul3A_50 = arith.mulf %sub3A, %get3A_33 : vector<6144xf32>
    %mul3A_51 = arith.mulf %sub3A_39, %get3A_38 : vector<6144xf32>
    %mul3A_52 = arith.constant 5.000000e-01 : f32
    %mul3A_53 = vector.broadcast %mul3A_52 : f32 to vector<6144xf32>
    %mul3A_54 = arith.mulf %mul3A_53, %mul3A_50 : vector<6144xf32>
    %sub3A_55 = arith.subf %add3A_47, %mul3A_54 : vector<6144xf32>
    %mul3A_56 = arith.constant 5.000000e-01 : f32
    %mul3A_57 = vector.broadcast %mul3A_56 : f32 to vector<6144xf32>
    %mul3A_58 = arith.mulf %mul3A_57, %mul3A_51 : vector<6144xf32>
    %sub3A_59 = arith.subf %add3A_49, %mul3A_58 : vector<6144xf32>
    %add3A_60 = arith.addf %sub3A_55, %mul3A_50 : vector<6144xf32>
    %add3A_61 = arith.addf %sub3A_59, %mul3A_51 : vector<6144xf32>
    %jit3A = arith.constant 0.000000e+00 : f32
    %jit3A_62 = arith.constant 1.000000e+00 : f32
    %max3A = vector.broadcast %jit3A : f32 to vector<6144xf32>
    %max3A_63 = arith.maximumf %max3A, %sub3A_55 : vector<6144xf32>
    %min3A = vector.broadcast %jit3A_62 : f32 to vector<6144xf32>
    %min3A_64 = arith.minimumf %min3A, %max3A_63 : vector<6144xf32>
    %jit3A_65 = arith.constant 0.000000e+00 : f32
    %jit3A_66 = arith.constant 1.000000e+00 : f32
    %max3A_67 = vector.broadcast %jit3A_65 : f32 to vector<6144xf32>
    %max3A_68 = arith.maximumf %max3A_67, %sub3A_59 : vector<6144xf32>
    %min3A_69 = vector.broadcast %jit3A_66 : f32 to vector<6144xf32>
    %min3A_70 = arith.minimumf %min3A_69, %max3A_68 : vector<6144xf32>
    %jit3A_71 = arith.constant 0.000000e+00 : f32
    %jit3A_72 = arith.constant 1.000000e+00 : f32
    %max3A_73 = vector.broadcast %jit3A_71 : f32 to vector<6144xf32>
    %max3A_74 = arith.maximumf %max3A_73, %add3A_60 : vector<6144xf32>
    %min3A_75 = vector.broadcast %jit3A_72 : f32 to vector<6144xf32>
    %min3A_76 = arith.minimumf %min3A_75, %max3A_74 : vector<6144xf32>
    %jit3A_77 = arith.constant 0.000000e+00 : f32
    %jit3A_78 = arith.constant 1.000000e+00 : f32
    %max3A_79 = vector.broadcast %jit3A_77 : f32 to vector<6144xf32>
    %max3A_80 = arith.maximumf %max3A_79, %add3A_61 : vector<6144xf32>
    %min3A_81 = vector.broadcast %jit3A_78 : f32 to vector<6144xf32>
    %min3A_82 = arith.minimumf %min3A_81, %max3A_80 : vector<6144xf32>
    %sub3A_83 = arith.subf %min3A_76, %min3A_64 : vector<6144xf32>
    %max3A_84 = arith.constant 0.000000e+00 : f32
    %max3A_85 = vector.broadcast %max3A_84 : f32 to vector<6144xf32>
    %max3A_86 = arith.maximumf %sub3A_83, %max3A_85 : vector<6144xf32>
    %sub3A_87 = arith.subf %min3A_82, %min3A_70 : vector<6144xf32>
    %max3A_88 = arith.constant 0.000000e+00 : f32
    %max3A_89 = vector.broadcast %max3A_88 : f32 to vector<6144xf32>
    %max3A_90 = arith.maximumf %sub3A_87, %max3A_89 : vector<6144xf32>
    %mul3A_91 = arith.mulf %max3A_86, %max3A_90 : vector<6144xf32>
    %swap3A = arith.constant 0 : index
    %swap3A_92 = arith.constant 0 : index
    %swap3A_93 = vector.load %arg4[%swap3A, %swap3A_92] : memref<8x6144xf32, #tpu.memory_space<vmem>>, vector<1x6144xf32>
    %swap3A_94 = vector.shape_cast %swap3A_93 : vector<1x6144xf32> to vector<6144xf32>
    %swap3A_95 = vector.shape_cast %min3A_64 : vector<6144xf32> to vector<1x6144xf32>
    tpu.vector_store %arg4[%swap3A, %swap3A_92], %swap3A_95 {strides = array<i32>} : memref<8x6144xf32, #tpu.memory_space<vmem>>, vector<1x6144xf32>,
    %swap3A_96 = arith.constant 1 : index
    %swap3A_97 = arith.constant 0 : index
    %swap3A_98 = vector.load %arg4[%swap3A_96, %swap3A_97] : memref<8x6144xf32, #tpu.memory_space<vmem>>, vector<1x6144xf32>
    %swap3A_99 = vector.shape_cast %swap3A_98 : vector<1x6144xf32> to vector<6144xf32>
    %swap3A_100 = vector.shape_cast %min3A_70 : vector<6144xf32> to vector<1x6144xf32>
    tpu.vector_store %arg4[%swap3A_96, %swap3A_97], %swap3A_100 {strides = array<i32>} : memref<8x6144xf32, #tpu.memory_space<vmem>>, vector<1x6144xf32>,
    %swap3A_101 = arith.constant 2 : index
    %swap3A_102 = arith.constant 0 : index
    %swap3A_103 = vector.load %arg4[%swap3A_101, %swap3A_102] : memref<8x6144xf32, #tpu.memory_space<vmem>>, vector<1x6144xf32>
    %swap3A_104 = vector.shape_cast %swap3A_103 : vector<1x6144xf32> to vector<6144xf32>
    %swap3A_105 = vector.shape_cast %min3A_76 : vector<6144xf32> to vector<1x6144xf32>
    tpu.vector_store %arg4[%swap3A_101, %swap3A_102], %swap3A_105 {strides = array<i32>} : memref<8x6144xf32, #tpu.memory_space<vmem>>, vector<1x6144xf32>,
    %swap3A_106 = arith.constant 3 : index
    %swap3A_107 = arith.constant 0 : index
    %swap3A_108 = vector.load %arg4[%swap3A_106, %swap3A_107] : memref<8x6144xf32, #tpu.memory_space<vmem>>, vector<1x6144xf32>
    %swap3A_109 = vector.shape_cast %swap3A_108 : vector<1x6144xf32> to vector<6144xf32>
    %swap3A_110 = vector.shape_cast %min3A_82 : vector<6144xf32> to vector<1x6144xf32>
    tpu.vector_store %arg4[%swap3A_106, %swap3A_107], %swap3A_110 {strides = array<i32>} : memref<8x6144xf32, #tpu.memory_space<vmem>>, vector<1x6144xf32>,
    %swap3A_111 = arith.constant 4 : index
    %swap3A_112 = arith.constant 0 : index
    %swap3A_113 = vector.load %arg4[%swap3A_111, %swap3A_112] : memref<8x6144xf32, #tpu.memory_space<vmem>>, vector<1x6144xf32>
    %swap3A_114 = vector.shape_cast %swap3A_113 : vector<1x6144xf32> to vector<6144xf32>
    %swap3A_115 = vector.shape_cast %mul3A_91 : vector<6144xf32> to vector<1x6144xf32>
    tpu.vector_store %arg4[%swap3A_111, %swap3A_112], %swap3A_115 {strides = array<i32>} : memref<8x6144xf32, #tpu.memory_space<vmem>>, vector<1x6144xf32>,
    %broadcast_in_dim3A = arith.constant 0.000000e+00 : f32
    %broadcast_in_dim3A_116 = vector.broadcast %broadcast_in_dim3A : f32 to vector<6144xf32>
    %swap3A_117 = arith.constant 6 : index
    %swap3A_118 = arith.constant 0 : index
    %swap3A_119 = vector.load %arg4[%swap3A_117, %swap3A_118] : memref<8x6144xf32, #tpu.memory_space<vmem>>, vector<1x6144xf32>
    %swap3A_120 = vector.shape_cast %swap3A_119 : vector<1x6144xf32> to vector<6144xf32>
    %swap3A_121 = vector.shape_cast %broadcast_in_dim3A_116 : vector<6144xf32> to vector<1x6144xf32>
    tpu.vector_store %arg4[%swap3A_117, %swap3A_118], %swap3A_121 {strides = array<i32>} : memref<8x6144xf32, #tpu.memory_space<vmem>>, vector<1x6144xf32>,
    %iota3A = tpu.iota {dimensions = array<i32: 0>} : vector<512x512xi32>
    %iota3A_122 = tpu.iota {dimensions = array<i32: 1>} : vector<512x512xi32>
    %lt3A = arith.cmpi slt, %iota3A, %iota3A_122 : vector<512x512xi32>
    %convert_element_type3A = arith.extui %lt3A : vector<512x512xi1> to vector<512x512xi32>
    %convert_element_type3A_123 = arith.sitofp %convert_element_type3A : vector<512x512xi32> to vector<512x512xf32>
    %scan3A = arith.constant 0 : i32
    %scan3A_124 = arith.constant 12 : i32
    %scan3A_125 = arith.addi %scan3A, %scan3A_124 : i32
    %scan3A_126 = arith.constant 1 : i32
    scf.for %scan3A_157 = %scan3A to %scan3A_125 step %scan3A_126  : i32 {
      %get3A_158 = arith.constant 6 : index
      %get3A_159 = arith.constant 0 : index
      %get3A_160 = vector.load %arg4[%get3A_158, %get3A_159] : memref<8x6144xf32, #tpu.memory_space<vmem>>, vector<1x6144xf32>
      %get3A_161 = vector.shape_cast %get3A_160 : vector<1x6144xf32> to vector<6144xf32>
      %reduce_sum3A = vector.shape_cast %get3A_161 : vector<6144xf32> to vector<1x6144xf32>
      %reduce_sum3A_162 = arith.constant dense<0.000000e+00> : vector<1xf32>
      %reduce_sum3A_163 = vector.multi_reduction <add>, %reduce_sum3A, %reduce_sum3A_162 [1] : vector<1x6144xf32> to vector<1xf32>
      %reduce_sum3A_164 = vector.shape_cast %reduce_sum3A_163 : vector<1xf32> to vector<1x1xf32>
      %reduce_sum3A_165 = vector.extract %reduce_sum3A_164[0, 0] : f32 from vector<1x1xf32>
      %ge3A = arith.constant 1.000000e+03 : f32
      %ge3A_166 = arith.cmpf oge, %reduce_sum3A_165, %ge3A : f32
      %not3A = arith.constant true
      %not3A_167 = arith.xori %ge3A_166, %not3A : i1
      %convert_element_type3A_168 = arith.extui %not3A_167 : i1 to i32
      %cond3A = arith.constant 0 : i32
      %cond3A_169 = arith.cmpi ne, %convert_element_type3A_168, %cond3A : i32
      scf.if %cond3A_169 {
        %mul3A_170 = arith.constant 512 : i32
        %mul3A_171 = arith.muli %scan3A_157, %mul3A_170 : i32
        %multiple_of3A = tpu.assume_multiple %mul3A_171, 512 : i32
        %get3A_172 = arith.constant 0 : index
        %get3A_173 = arith.index_cast %multiple_of3A : i32 to index
        %get3A_174 = vector.load %arg4[%get3A_172, %get3A_173] : memref<8x6144xf32, #tpu.memory_space<vmem>>, vector<1x512xf32>
        %get3A_175 = vector.shape_cast %get3A_174 : vector<1x512xf32> to vector<512xf32>
        %get3A_176 = arith.constant 1 : index
        %get3A_177 = arith.index_cast %multiple_of3A : i32 to index
        %get3A_178 = vector.load %arg4[%get3A_176, %get3A_177] : memref<8x6144xf32, #tpu.memory_space<vmem>>, vector<1x512xf32>
        %get3A_179 = vector.shape_cast %get3A_178 : vector<1x512xf32> to vector<512xf32>
        %get3A_180 = arith.constant 2 : index
        %get3A_181 = arith.index_cast %multiple_of3A : i32 to index
        %get3A_182 = vector.load %arg4[%get3A_180, %get3A_181] : memref<8x6144xf32, #tpu.memory_space<vmem>>, vector<1x512xf32>
        %get3A_183 = vector.shape_cast %get3A_182 : vector<1x512xf32> to vector<512xf32>
        %get3A_184 = arith.constant 3 : index
        %get3A_185 = arith.index_cast %multiple_of3A : i32 to index
        %get3A_186 = vector.load %arg4[%get3A_184, %get3A_185] : memref<8x6144xf32, #tpu.memory_space<vmem>>, vector<1x512xf32>
        %get3A_187 = vector.shape_cast %get3A_186 : vector<1x512xf32> to vector<512xf32>
        %get3A_188 = arith.constant 4 : index
        %get3A_189 = arith.index_cast %multiple_of3A : i32 to index
        %get3A_190 = vector.load %arg4[%get3A_188, %get3A_189] : memref<8x6144xf32, #tpu.memory_space<vmem>>, vector<1x512xf32>
        %get3A_191 = vector.shape_cast %get3A_190 : vector<1x512xf32> to vector<512xf32>
        %iota3A_192 = tpu.iota {dimensions = array<i32: 1>} : vector<1x512xi32>
        %squeeze3A = vector.shape_cast %iota3A_192 : vector<1x512xi32> to vector<512xi32>
        %add3A_193 = vector.broadcast %multiple_of3A : i32 to vector<512xi32>
        %add3A_194 = arith.addi %add3A_193, %squeeze3A : vector<512xi32>
        %lt3A_195 = arith.constant 6000 : i32
        %lt3A_196 = vector.broadcast %lt3A_195 : i32 to vector<512xi32>
        %lt3A_197 = arith.cmpi slt, %add3A_194, %lt3A_196 : vector<512xi32>
        %convert_element_type3A_198 = arith.extui %lt3A_197 : vector<512xi1> to vector<512xi32>
        %convert_element_type3A_199 = arith.sitofp %convert_element_type3A_198 : vector<512xi32> to vector<512xf32>
        %broadcast_in_dim3A_200 = arith.constant 0.000000e+00 : f32
        %broadcast_in_dim3A_201 = vector.broadcast %broadcast_in_dim3A_200 : f32 to vector<1x512xf32>
        %while3A = arith.constant 0 : i32
        %while3A_202 = arith.subi %scan3A_157, %while3A : i32
        %while3A_203 = arith.addi %while3A, %while3A_202 : i32
        %while3A_204 = arith.constant 1 : i32
        %while3A_205 = arith.divsi %while3A_202, %while3A_204 : i32
        %while3A_206 = arith.muli %while3A_205, %while3A_204 : i32
        %while3A_207 = arith.addi %while3A, %while3A_206 : i32
        %while3A_208 = arith.constant 1 : i32
        %while3A_209 = scf.for %while3A_268 = %while3A to %while3A_207 step %while3A_208 iter_args(%while3A_269 = %broadcast_in_dim3A_201) -> (vector<1x512xf32>)  : i32 {
          %mul3A_270 = arith.constant 512 : i32
          %mul3A_271 = arith.muli %while3A_268, %mul3A_270 : i32
          %multiple_of3A_272 = tpu.assume_multiple %mul3A_271, 512 : i32
          %get3A_273 = arith.constant 0 : index
          %get3A_274 = arith.index_cast %multiple_of3A_272 : i32 to index
          %get3A_275 = vector.load %arg4[%get3A_273, %get3A_274] : memref<8x6144xf32, #tpu.memory_space<vmem>>, vector<1x512xf32>
          %get3A_276 = vector.shape_cast %get3A_275 : vector<1x512xf32> to vector<512xf32>
          %get3A_277 = arith.constant 1 : index
          %get3A_278 = arith.index_cast %multiple_of3A_272 : i32 to index
          %get3A_279 = vector.load %arg4[%get3A_277, %get3A_278] : memref<8x6144xf32, #tpu.memory_space<vmem>>, vector<1x512xf32>
          %get3A_280 = vector.shape_cast %get3A_279 : vector<1x512xf32> to vector<512xf32>
          %get3A_281 = arith.constant 2 : index
          %get3A_282 = arith.index_cast %multiple_of3A_272 : i32 to index
          %get3A_283 = vector.load %arg4[%get3A_281, %get3A_282] : memref<8x6144xf32, #tpu.memory_space<vmem>>, vector<1x512xf32>
          %get3A_284 = vector.shape_cast %get3A_283 : vector<1x512xf32> to vector<512xf32>
          %get3A_285 = arith.constant 3 : index
          %get3A_286 = arith.index_cast %multiple_of3A_272 : i32 to index
          %get3A_287 = vector.load %arg4[%get3A_285, %get3A_286] : memref<8x6144xf32, #tpu.memory_space<vmem>>, vector<1x512xf32>
          %get3A_288 = vector.shape_cast %get3A_287 : vector<1x512xf32> to vector<512xf32>
          %get3A_289 = arith.constant 4 : index
          %get3A_290 = arith.index_cast %multiple_of3A_272 : i32 to index
          %get3A_291 = vector.load %arg4[%get3A_289, %get3A_290] : memref<8x6144xf32, #tpu.memory_space<vmem>>, vector<1x512xf32>
          %get3A_292 = vector.shape_cast %get3A_291 : vector<1x512xf32> to vector<512xf32>
          %broadcast_in_dim3A_293 = vector.shape_cast %get3A_276 : vector<512xf32> to vector<512x1xf32>
          %broadcast_in_dim3A_294 = vector.shape_cast %get3A_175 : vector<512xf32> to vector<1x512xf32>
          %max3A_295 = vector.broadcast %broadcast_in_dim3A_293 : vector<512x1xf32> to vector<512x512xf32>
          %max3A_296 = vector.broadcast %broadcast_in_dim3A_294 : vector<1x512xf32> to vector<512x512xf32>
          %max3A_297 = arith.maximumf %max3A_295, %max3A_296 : vector<512x512xf32>
          %broadcast_in_dim3A_298 = vector.shape_cast %get3A_280 : vector<512xf32> to vector<512x1xf32>
          %broadcast_in_dim3A_299 = vector.shape_cast %get3A_179 : vector<512xf32> to vector<1x512xf32>
          %max3A_300 = vector.broadcast %broadcast_in_dim3A_298 : vector<512x1xf32> to vector<512x512xf32>
          %max3A_301 = vector.broadcast %broadcast_in_dim3A_299 : vector<1x512xf32> to vector<512x512xf32>
          %max3A_302 = arith.maximumf %max3A_300, %max3A_301 : vector<512x512xf32>
          %broadcast_in_dim3A_303 = vector.shape_cast %get3A_284 : vector<512xf32> to vector<512x1xf32>
          %broadcast_in_dim3A_304 = vector.shape_cast %get3A_183 : vector<512xf32> to vector<1x512xf32>
          %min3A_305 = vector.broadcast %broadcast_in_dim3A_303 : vector<512x1xf32> to vector<512x512xf32>
          %min3A_306 = vector.broadcast %broadcast_in_dim3A_304 : vector<1x512xf32> to vector<512x512xf32>
          %min3A_307 = arith.minimumf %min3A_305, %min3A_306 : vector<512x512xf32>
          %broadcast_in_dim3A_308 = vector.shape_cast %get3A_288 : vector<512xf32> to vector<512x1xf32>
          %broadcast_in_dim3A_309 = vector.shape_cast %get3A_187 : vector<512xf32> to vector<1x512xf32>
          %min3A_310 = vector.broadcast %broadcast_in_dim3A_308 : vector<512x1xf32> to vector<512x512xf32>
          %min3A_311 = vector.broadcast %broadcast_in_dim3A_309 : vector<1x512xf32> to vector<512x512xf32>
          %min3A_312 = arith.minimumf %min3A_310, %min3A_311 : vector<512x512xf32>
          %sub3A_313 = arith.subf %min3A_307, %max3A_297 : vector<512x512xf32>
          %max3A_314 = arith.constant 0.000000e+00 : f32
          %max3A_315 = vector.broadcast %max3A_314 : f32 to vector<512x512xf32>
          %max3A_316 = arith.maximumf %sub3A_313, %max3A_315 : vector<512x512xf32>
          %sub3A_317 = arith.subf %min3A_312, %max3A_302 : vector<512x512xf32>
          %max3A_318 = arith.constant 0.000000e+00 : f32
          %max3A_319 = vector.broadcast %max3A_318 : f32 to vector<512x512xf32>
          %max3A_320 = arith.maximumf %sub3A_317, %max3A_319 : vector<512x512xf32>
          %mul3A_321 = arith.mulf %max3A_316, %max3A_320 : vector<512x512xf32>
          %broadcast_in_dim3A_322 = vector.shape_cast %get3A_292 : vector<512xf32> to vector<512x1xf32>
          %broadcast_in_dim3A_323 = vector.shape_cast %get3A_191 : vector<512xf32> to vector<1x512xf32>
          %add3A_324 = vector.broadcast %broadcast_in_dim3A_322 : vector<512x1xf32> to vector<512x512xf32>
          %add3A_325 = vector.broadcast %broadcast_in_dim3A_323 : vector<1x512xf32> to vector<512x512xf32>
          %add3A_326 = arith.addf %add3A_324, %add3A_325 : vector<512x512xf32>
          %sub3A_327 = arith.subf %add3A_326, %mul3A_321 : vector<512x512xf32>
          %max3A_328 = arith.constant 9.99999996E-13 : f32
          %max3A_329 = vector.broadcast %max3A_328 : f32 to vector<512x512xf32>
          %max3A_330 = arith.maximumf %sub3A_327, %max3A_329 : vector<512x512xf32>
          %div3A_331 = arith.divf %mul3A_321, %max3A_330 : vector<512x512xf32>
          %gt3A_332 = arith.constant 0.699999988 : f32
          %gt3A_333 = vector.broadcast %gt3A_332 : f32 to vector<512x512xf32>
          %gt3A_334 = arith.cmpf ogt, %div3A_331, %gt3A_333 : vector<512x512xf32>
          %convert_element_type3A_335 = arith.extui %gt3A_334 : vector<512x512xi1> to vector<512x512xi32>
          %convert_element_type3A_336 = arith.sitofp %convert_element_type3A_335 : vector<512x512xi32> to vector<512x512xf32>
          %get3A_337 = arith.constant 6 : index
          %get3A_338 = arith.index_cast %multiple_of3A_272 : i32 to index
          %get3A_339 = vector.load %arg4[%get3A_337, %get3A_338] : memref<8x6144xf32, #tpu.memory_space<vmem>>, vector<1x512xf32>
          %get3A_340 = vector.shape_cast %get3A_339 : vector<1x512xf32> to vector<512xf32>
          %reshape3A_341 = vector.shape_cast %get3A_340 : vector<512xf32> to vector<1x512xf32>
          %dot_general3A = arith.constant dense<0.000000e+00> : vector<1x512xf32>
          %dot_general3A_342 = tpu.matmul %reshape3A_341, %convert_element_type3A_336, %dot_general3A {dimension_numbers = #tpu.dot_dimension_numbers<[1], [0], [0], [1], [0, 0, 1, 1], [], []>, transpose_lhs_hint = false} : vector<1x512xf32>, vector<512x512xf32>, vector<1x512xf32> -> vector<1x512xf32>
          %gt3A_343 = arith.constant 0.000000e+00 : f32
          %gt3A_344 = vector.broadcast %gt3A_343 : f32 to vector<1x512xf32>
          %gt3A_345 = arith.cmpf ogt, %dot_general3A_342, %gt3A_344 : vector<1x512xf32>
          %convert_element_type3A_346 = arith.extui %gt3A_345 : vector<1x512xi1> to vector<1x512xi32>
          %convert_element_type3A_347 = arith.sitofp %convert_element_type3A_346 : vector<1x512xi32> to vector<1x512xf32>
          %max3A_348 = arith.maximumf %while3A_269, %convert_element_type3A_347 : vector<1x512xf32>
          scf.yield %max3A_348 : vector<1x512xf32>
        }
        %while3A_210 = arith.constant 1 : i32
        %while3A_211 = scf.for %while3A_268 = %while3A_207 to %while3A_203 step %while3A_210 iter_args(%while3A_269 = %while3A_209) -> (vector<1x512xf32>)  : i32 {
          %mul3A_270 = arith.constant 512 : i32
          %mul3A_271 = arith.muli %while3A_268, %mul3A_270 : i32
          %multiple_of3A_272 = tpu.assume_multiple %mul3A_271, 512 : i32
          %get3A_273 = arith.constant 0 : index
          %get3A_274 = arith.index_cast %multiple_of3A_272 : i32 to index
          %get3A_275 = vector.load %arg4[%get3A_273, %get3A_274] : memref<8x6144xf32, #tpu.memory_space<vmem>>, vector<1x512xf32>
          %get3A_276 = vector.shape_cast %get3A_275 : vector<1x512xf32> to vector<512xf32>
          %get3A_277 = arith.constant 1 : index
          %get3A_278 = arith.index_cast %multiple_of3A_272 : i32 to index
          %get3A_279 = vector.load %arg4[%get3A_277, %get3A_278] : memref<8x6144xf32, #tpu.memory_space<vmem>>, vector<1x512xf32>
          %get3A_280 = vector.shape_cast %get3A_279 : vector<1x512xf32> to vector<512xf32>
          %get3A_281 = arith.constant 2 : index
          %get3A_282 = arith.index_cast %multiple_of3A_272 : i32 to index
          %get3A_283 = vector.load %arg4[%get3A_281, %get3A_282] : memref<8x6144xf32, #tpu.memory_space<vmem>>, vector<1x512xf32>
          %get3A_284 = vector.shape_cast %get3A_283 : vector<1x512xf32> to vector<512xf32>
          %get3A_285 = arith.constant 3 : index
          %get3A_286 = arith.index_cast %multiple_of3A_272 : i32 to index
          %get3A_287 = vector.load %arg4[%get3A_285, %get3A_286] : memref<8x6144xf32, #tpu.memory_space<vmem>>, vector<1x512xf32>
          %get3A_288 = vector.shape_cast %get3A_287 : vector<1x512xf32> to vector<512xf32>
          %get3A_289 = arith.constant 4 : index
          %get3A_290 = arith.index_cast %multiple_of3A_272 : i32 to index
          %get3A_291 = vector.load %arg4[%get3A_289, %get3A_290] : memref<8x6144xf32, #tpu.memory_space<vmem>>, vector<1x512xf32>
          %get3A_292 = vector.shape_cast %get3A_291 : vector<1x512xf32> to vector<512xf32>
          %broadcast_in_dim3A_293 = vector.shape_cast %get3A_276 : vector<512xf32> to vector<512x1xf32>
          %broadcast_in_dim3A_294 = vector.shape_cast %get3A_175 : vector<512xf32> to vector<1x512xf32>
          %max3A_295 = vector.broadcast %broadcast_in_dim3A_293 : vector<512x1xf32> to vector<512x512xf32>
          %max3A_296 = vector.broadcast %broadcast_in_dim3A_294 : vector<1x512xf32> to vector<512x512xf32>
          %max3A_297 = arith.maximumf %max3A_295, %max3A_296 : vector<512x512xf32>
          %broadcast_in_dim3A_298 = vector.shape_cast %get3A_280 : vector<512xf32> to vector<512x1xf32>
          %broadcast_in_dim3A_299 = vector.shape_cast %get3A_179 : vector<512xf32> to vector<1x512xf32>
          %max3A_300 = vector.broadcast %broadcast_in_dim3A_298 : vector<512x1xf32> to vector<512x512xf32>
          %max3A_301 = vector.broadcast %broadcast_in_dim3A_299 : vector<1x512xf32> to vector<512x512xf32>
          %max3A_302 = arith.maximumf %max3A_300, %max3A_301 : vector<512x512xf32>
          %broadcast_in_dim3A_303 = vector.shape_cast %get3A_284 : vector<512xf32> to vector<512x1xf32>
          %broadcast_in_dim3A_304 = vector.shape_cast %get3A_183 : vector<512xf32> to vector<1x512xf32>
          %min3A_305 = vector.broadcast %broadcast_in_dim3A_303 : vector<512x1xf32> to vector<512x512xf32>
          %min3A_306 = vector.broadcast %broadcast_in_dim3A_304 : vector<1x512xf32> to vector<512x512xf32>
          %min3A_307 = arith.minimumf %min3A_305, %min3A_306 : vector<512x512xf32>
          %broadcast_in_dim3A_308 = vector.shape_cast %get3A_288 : vector<512xf32> to vector<512x1xf32>
          %broadcast_in_dim3A_309 = vector.shape_cast %get3A_187 : vector<512xf32> to vector<1x512xf32>
          %min3A_310 = vector.broadcast %broadcast_in_dim3A_308 : vector<512x1xf32> to vector<512x512xf32>
          %min3A_311 = vector.broadcast %broadcast_in_dim3A_309 : vector<1x512xf32> to vector<512x512xf32>
          %min3A_312 = arith.minimumf %min3A_310, %min3A_311 : vector<512x512xf32>
          %sub3A_313 = arith.subf %min3A_307, %max3A_297 : vector<512x512xf32>
          %max3A_314 = arith.constant 0.000000e+00 : f32
          %max3A_315 = vector.broadcast %max3A_314 : f32 to vector<512x512xf32>
          %max3A_316 = arith.maximumf %sub3A_313, %max3A_315 : vector<512x512xf32>
          %sub3A_317 = arith.subf %min3A_312, %max3A_302 : vector<512x512xf32>
          %max3A_318 = arith.constant 0.000000e+00 : f32
          %max3A_319 = vector.broadcast %max3A_318 : f32 to vector<512x512xf32>
          %max3A_320 = arith.maximumf %sub3A_317, %max3A_319 : vector<512x512xf32>
          %mul3A_321 = arith.mulf %max3A_316, %max3A_320 : vector<512x512xf32>
          %broadcast_in_dim3A_322 = vector.shape_cast %get3A_292 : vector<512xf32> to vector<512x1xf32>
          %broadcast_in_dim3A_323 = vector.shape_cast %get3A_191 : vector<512xf32> to vector<1x512xf32>
          %add3A_324 = vector.broadcast %broadcast_in_dim3A_322 : vector<512x1xf32> to vector<512x512xf32>
          %add3A_325 = vector.broadcast %broadcast_in_dim3A_323 : vector<1x512xf32> to vector<512x512xf32>
          %add3A_326 = arith.addf %add3A_324, %add3A_325 : vector<512x512xf32>
          %sub3A_327 = arith.subf %add3A_326, %mul3A_321 : vector<512x512xf32>
          %max3A_328 = arith.constant 9.99999996E-13 : f32
          %max3A_329 = vector.broadcast %max3A_328 : f32 to vector<512x512xf32>
          %max3A_330 = arith.maximumf %sub3A_327, %max3A_329 : vector<512x512xf32>
          %div3A_331 = arith.divf %mul3A_321, %max3A_330 : vector<512x512xf32>
          %gt3A_332 = arith.constant 0.699999988 : f32
          %gt3A_333 = vector.broadcast %gt3A_332 : f32 to vector<512x512xf32>
          %gt3A_334 = arith.cmpf ogt, %div3A_331, %gt3A_333 : vector<512x512xf32>
          %convert_element_type3A_335 = arith.extui %gt3A_334 : vector<512x512xi1> to vector<512x512xi32>
          %convert_element_type3A_336 = arith.sitofp %convert_element_type3A_335 : vector<512x512xi32> to vector<512x512xf32>
          %get3A_337 = arith.constant 6 : index
          %get3A_338 = arith.index_cast %multiple_of3A_272 : i32 to index
          %get3A_339 = vector.load %arg4[%get3A_337, %get3A_338] : memref<8x6144xf32, #tpu.memory_space<vmem>>, vector<1x512xf32>
          %get3A_340 = vector.shape_cast %get3A_339 : vector<1x512xf32> to vector<512xf32>
          %reshape3A_341 = vector.shape_cast %get3A_340 : vector<512xf32> to vector<1x512xf32>
          %dot_general3A = arith.constant dense<0.000000e+00> : vector<1x512xf32>
          %dot_general3A_342 = tpu.matmul %reshape3A_341, %convert_element_type3A_336, %dot_general3A {dimension_numbers = #tpu.dot_dimension_numbers<[1], [0], [0], [1], [0, 0, 1, 1], [], []>, transpose_lhs_hint = false} : vector<1x512xf32>, vector<512x512xf32>, vector<1x512xf32> -> vector<1x512xf32>
          %gt3A_343 = arith.constant 0.000000e+00 : f32
          %gt3A_344 = vector.broadcast %gt3A_343 : f32 to vector<1x512xf32>
          %gt3A_345 = arith.cmpf ogt, %dot_general3A_342, %gt3A_344 : vector<1x512xf32>
          %convert_element_type3A_346 = arith.extui %gt3A_345 : vector<1x512xi1> to vector<1x512xi32>
          %convert_element_type3A_347 = arith.sitofp %convert_element_type3A_346 : vector<1x512xi32> to vector<1x512xf32>
          %max3A_348 = arith.maximumf %while3A_269, %convert_element_type3A_347 : vector<1x512xf32>
          scf.yield %max3A_348 : vector<1x512xf32>
        }
        %sub3A_212 = arith.constant 1.000000e+00 : f32
        %sub3A_213 = vector.broadcast %sub3A_212 : f32 to vector<1x512xf32>
        %sub3A_214 = arith.subf %sub3A_213, %while3A_211 : vector<1x512xf32>
        %reshape3A = vector.shape_cast %convert_element_type3A_199 : vector<512xf32> to vector<1x512xf32>
        %mul3A_215 = arith.mulf %sub3A_214, %reshape3A : vector<1x512xf32>
        %broadcast_in_dim3A_216 = vector.shape_cast %get3A_175 : vector<512xf32> to vector<512x1xf32>
        %broadcast_in_dim3A_217 = vector.shape_cast %get3A_175 : vector<512xf32> to vector<1x512xf32>
        %max3A_218 = vector.broadcast %broadcast_in_dim3A_216 : vector<512x1xf32> to vector<512x512xf32>
        %max3A_219 = vector.broadcast %broadcast_in_dim3A_217 : vector<1x512xf32> to vector<512x512xf32>
        %max3A_220 = arith.maximumf %max3A_218, %max3A_219 : vector<512x512xf32>
        %broadcast_in_dim3A_221 = vector.shape_cast %get3A_179 : vector<512xf32> to vector<512x1xf32>
        %broadcast_in_dim3A_222 = vector.shape_cast %get3A_179 : vector<512xf32> to vector<1x512xf32>
        %max3A_223 = vector.broadcast %broadcast_in_dim3A_221 : vector<512x1xf32> to vector<512x512xf32>
        %max3A_224 = vector.broadcast %broadcast_in_dim3A_222 : vector<1x512xf32> to vector<512x512xf32>
        %max3A_225 = arith.maximumf %max3A_223, %max3A_224 : vector<512x512xf32>
        %broadcast_in_dim3A_226 = vector.shape_cast %get3A_183 : vector<512xf32> to vector<512x1xf32>
        %broadcast_in_dim3A_227 = vector.shape_cast %get3A_183 : vector<512xf32> to vector<1x512xf32>
        %min3A_228 = vector.broadcast %broadcast_in_dim3A_226 : vector<512x1xf32> to vector<512x512xf32>
        %min3A_229 = vector.broadcast %broadcast_in_dim3A_227 : vector<1x512xf32> to vector<512x512xf32>
        %min3A_230 = arith.minimumf %min3A_228, %min3A_229 : vector<512x512xf32>
        %broadcast_in_dim3A_231 = vector.shape_cast %get3A_187 : vector<512xf32> to vector<512x1xf32>
        %broadcast_in_dim3A_232 = vector.shape_cast %get3A_187 : vector<512xf32> to vector<1x512xf32>
        %min3A_233 = vector.broadcast %broadcast_in_dim3A_231 : vector<512x1xf32> to vector<512x512xf32>
        %min3A_234 = vector.broadcast %broadcast_in_dim3A_232 : vector<1x512xf32> to vector<512x512xf32>
        %min3A_235 = arith.minimumf %min3A_233, %min3A_234 : vector<512x512xf32>
        %sub3A_236 = arith.subf %min3A_230, %max3A_220 : vector<512x512xf32>
        %max3A_237 = arith.constant 0.000000e+00 : f32
        %max3A_238 = vector.broadcast %max3A_237 : f32 to vector<512x512xf32>
        %max3A_239 = arith.maximumf %sub3A_236, %max3A_238 : vector<512x512xf32>
        %sub3A_240 = arith.subf %min3A_235, %max3A_225 : vector<512x512xf32>
        %max3A_241 = arith.constant 0.000000e+00 : f32
        %max3A_242 = vector.broadcast %max3A_241 : f32 to vector<512x512xf32>
        %max3A_243 = arith.maximumf %sub3A_240, %max3A_242 : vector<512x512xf32>
        %mul3A_244 = arith.mulf %max3A_239, %max3A_243 : vector<512x512xf32>
        %broadcast_in_dim3A_245 = vector.shape_cast %get3A_191 : vector<512xf32> to vector<512x1xf32>
        %broadcast_in_dim3A_246 = vector.shape_cast %get3A_191 : vector<512xf32> to vector<1x512xf32>
        %add3A_247 = vector.broadcast %broadcast_in_dim3A_245 : vector<512x1xf32> to vector<512x512xf32>
        %add3A_248 = vector.broadcast %broadcast_in_dim3A_246 : vector<1x512xf32> to vector<512x512xf32>
        %add3A_249 = arith.addf %add3A_247, %add3A_248 : vector<512x512xf32>
        %sub3A_250 = arith.subf %add3A_249, %mul3A_244 : vector<512x512xf32>
        %max3A_251 = arith.constant 9.99999996E-13 : f32
        %max3A_252 = vector.broadcast %max3A_251 : f32 to vector<512x512xf32>
        %max3A_253 = arith.maximumf %sub3A_250, %max3A_252 : vector<512x512xf32>
        %div3A = arith.divf %mul3A_244, %max3A_253 : vector<512x512xf32>
        %gt3A = arith.constant 0.699999988 : f32
        %gt3A_254 = vector.broadcast %gt3A : f32 to vector<512x512xf32>
        %gt3A_255 = arith.cmpf ogt, %div3A, %gt3A_254 : vector<512x512xf32>
        %convert_element_type3A_256 = arith.extui %gt3A_255 : vector<512x512xi1> to vector<512x512xi32>
        %convert_element_type3A_257 = arith.sitofp %convert_element_type3A_256 : vector<512x512xi32> to vector<512x512xf32>
        %mul3A_258 = arith.mulf %convert_element_type3A_257, %convert_element_type3A_123 : vector<512x512xf32>
        %while3A_259 = arith.constant true
        %while3A_260 = arith.constant 0 : i32
        %while3A_261:3 = scf.while (%while3A_268 = %mul3A_215, %while3A_269 = %while3A_259, %while3A_270 = %while3A_260) : (vector<1x512xf32>, i1, i32) -> (vector<1x512xf32>, i1, i32) {
          %lt3A_271 = arith.constant 514 : i32
          %lt3A_272 = arith.cmpi slt, %while3A_270, %lt3A_271 : i32
          %and3A = arith.andi %while3A_269, %lt3A_272 : i1
          scf.condition(%and3A) %while3A_268, %while3A_269, %while3A_270 : vector<1x512xf32>, i1, i32
        } do {
        ^bb0(%while3A_268: vector<1x512xf32>, %while3A_269: i1, %while3A_270: i32):
          %dot_general3A = arith.constant dense<0.000000e+00> : vector<1x512xf32>
          %dot_general3A_271 = tpu.matmul %while3A_268, %mul3A_258, %dot_general3A {dimension_numbers = #tpu.dot_dimension_numbers<[1], [0], [0], [1], [0, 0, 1, 1], [], []>, transpose_lhs_hint = false} : vector<1x512xf32>, vector<512x512xf32>, vector<1x512xf32> -> vector<1x512xf32>
          %le3A_272 = arith.constant 0.000000e+00 : f32
          %le3A_273 = vector.broadcast %le3A_272 : f32 to vector<1x512xf32>
          %le3A_274 = arith.cmpf ole, %dot_general3A_271, %le3A_273 : vector<1x512xf32>
          %convert_element_type3A_275 = arith.extui %le3A_274 : vector<1x512xi1> to vector<1x512xi32>
          %convert_element_type3A_276 = arith.sitofp %convert_element_type3A_275 : vector<1x512xi32> to vector<1x512xf32>
          %mul3A_277 = arith.mulf %mul3A_215, %convert_element_type3A_276 : vector<1x512xf32>
          %ne3A = arith.cmpf one, %mul3A_277, %while3A_268 : vector<1x512xf32>
          %reduce_or3A = arith.constant 1.000000e+00 : f32
          %reduce_or3A_278 = arith.constant 0.000000e+00 : f32
          %reduce_or3A_279 = vector.broadcast %reduce_or3A : f32 to vector<1x512xf32>
          %reduce_or3A_280 = vector.broadcast %reduce_or3A_278 : f32 to vector<1x512xf32>
          %reduce_or3A_281 = arith.select %ne3A, %reduce_or3A_279, %reduce_or3A_280 : vector<1x512xi1>, vector<1x512xf32>
          %reduce_or3A_282 = vector.shape_cast %reduce_or3A_281 : vector<1x512xf32> to vector<1x1x512xf32>
          %reduce_or3A_283 = arith.constant dense<0xFF800000> : vector<1xf32>
          %reduce_or3A_284 = vector.multi_reduction <maximumf>, %reduce_or3A_282, %reduce_or3A_283 [1, 2] : vector<1x1x512xf32> to vector<1xf32>
          %reduce_or3A_285 = vector.shape_cast %reduce_or3A_284 : vector<1xf32> to vector<1x1x1xf32>
          %reduce_or3A_286 = vector.extract %reduce_or3A_285[0, 0, 0] : f32 from vector<1x1x1xf32>
          %reduce_or3A_287 = arith.constant 0.000000e+00 : f32
          %reduce_or3A_288 = arith.cmpf ogt, %reduce_or3A_286, %reduce_or3A_287 : f32
          %add3A_289 = arith.constant 1 : i32
          %add3A_290 = arith.addi %while3A_270, %add3A_289 : i32
          scf.yield %mul3A_277, %reduce_or3A_288, %add3A_290 : vector<1x512xf32>, i1, i32
        }
        %squeeze3A_262 = vector.shape_cast %while3A_261#0 : vector<1x512xf32> to vector<512xf32>
        %swap3A_263 = arith.constant 6 : index
        %swap3A_264 = arith.index_cast %multiple_of3A : i32 to index
        %swap3A_265 = vector.load %arg4[%swap3A_263, %swap3A_264] : memref<8x6144xf32, #tpu.memory_space<vmem>>, vector<1x512xf32>
        %swap3A_266 = vector.shape_cast %swap3A_265 : vector<1x512xf32> to vector<512xf32>
        %swap3A_267 = vector.shape_cast %squeeze3A_262 : vector<512xf32> to vector<1x512xf32>
        tpu.vector_store %arg4[%swap3A_263, %swap3A_264], %swap3A_267 {strides = array<i32>} : memref<8x6144xf32, #tpu.memory_space<vmem>>, vector<1x512xf32>,
      } else {
      }
    }
    %scan3A_127 = arith.constant 12 : i32
    %le3A = arith.cmpi sle, %iota3A, %iota3A_122 : vector<512x512xi32>
    %convert_element_type3A_128 = arith.extui %le3A : vector<512x512xi1> to vector<512x512xi32>
    %convert_element_type3A_129 = arith.sitofp %convert_element_type3A_128 : vector<512x512xi32> to vector<512x512xf32>
    %scan3A_130 = arith.constant 0.000000e+00 : f32
    %scan3A_131 = arith.constant 0 : i32
    %scan3A_132 = arith.constant 12 : i32
    %scan3A_133 = arith.addi %scan3A_131, %scan3A_132 : i32
    %scan3A_134 = arith.constant 1 : i32
    %scan3A_135 = scf.for %scan3A_157 = %scan3A_131 to %scan3A_133 step %scan3A_134 iter_args(%scan3A_158 = %scan3A_130) -> (f32)  : i32 {
      %mul3A_159 = arith.constant 512 : i32
      %mul3A_160 = arith.muli %scan3A_157, %mul3A_159 : i32
      %multiple_of3A = tpu.assume_multiple %mul3A_160, 512 : i32
      %get3A_161 = arith.constant 6 : index
      %get3A_162 = arith.index_cast %multiple_of3A : i32 to index
      %get3A_163 = vector.load %arg4[%get3A_161, %get3A_162] : memref<8x6144xf32, #tpu.memory_space<vmem>>, vector<1x512xf32>
      %get3A_164 = vector.shape_cast %get3A_163 : vector<1x512xf32> to vector<512xf32>
      %reshape3A = vector.shape_cast %get3A_164 : vector<512xf32> to vector<1x512xf32>
      %dot_general3A = arith.constant dense<0.000000e+00> : vector<1x512xf32>
      %dot_general3A_165 = tpu.matmul %reshape3A, %convert_element_type3A_129, %dot_general3A {dimension_numbers = #tpu.dot_dimension_numbers<[1], [0], [0], [1], [0, 0, 1, 1], [], []>, transpose_lhs_hint = false} : vector<1x512xf32>, vector<512x512xf32>, vector<1x512xf32> -> vector<1x512xf32>
      %add3A_166 = vector.broadcast %scan3A_158 : f32 to vector<1x512xf32>
      %add3A_167 = arith.addf %dot_general3A_165, %add3A_166 : vector<1x512xf32>
      %squeeze3A = vector.shape_cast %add3A_167 : vector<1x512xf32> to vector<512xf32>
      %swap3A_168 = arith.constant 7 : index
      %swap3A_169 = arith.index_cast %multiple_of3A : i32 to index
      %swap3A_170 = vector.load %arg4[%swap3A_168, %swap3A_169] : memref<8x6144xf32, #tpu.memory_space<vmem>>, vector<1x512xf32>
      %swap3A_171 = vector.shape_cast %swap3A_170 : vector<1x512xf32> to vector<512xf32>
      %swap3A_172 = vector.shape_cast %squeeze3A : vector<512xf32> to vector<1x512xf32>
      tpu.vector_store %arg4[%swap3A_168, %swap3A_169], %swap3A_172 {strides = array<i32>} : memref<8x6144xf32, #tpu.memory_space<vmem>>, vector<1x512xf32>,
      %reduce_sum3A = vector.shape_cast %reshape3A : vector<1x512xf32> to vector<1x1x512xf32>
      %reduce_sum3A_173 = arith.constant dense<0.000000e+00> : vector<1xf32>
      %reduce_sum3A_174 = vector.multi_reduction <add>, %reduce_sum3A, %reduce_sum3A_173 [1, 2] : vector<1x1x512xf32> to vector<1xf32>
      %reduce_sum3A_175 = vector.shape_cast %reduce_sum3A_174 : vector<1xf32> to vector<1x1x1xf32>
      %reduce_sum3A_176 = vector.extract %reduce_sum3A_175[0, 0, 0] : f32 from vector<1x1x1xf32>
      %add3A_177 = arith.addf %scan3A_158, %reduce_sum3A_176 : f32
      scf.yield %add3A_177 : f32
    }
    %scan3A_136 = arith.constant 12 : i32
    %iota3A_137 = tpu.iota {dimensions = array<i32: 0>} : vector<1024x512xi32>
    %convert_element_type3A_138 = arith.sitofp %iota3A_137 : vector<1024x512xi32> to vector<1024x512xf32>
    %add3A_139 = arith.constant 1.000000e+00 : f32
    %add3A_140 = vector.broadcast %add3A_139 : f32 to vector<1024x512xf32>
    %add3A_141 = arith.addf %convert_element_type3A_138, %add3A_140 : vector<1024x512xf32>
    %broadcast_in_dim3A_142 = arith.constant 0.000000e+00 : f32
    %broadcast_in_dim3A_143 = vector.broadcast %broadcast_in_dim3A_142 : f32 to vector<1024x4xf32>
    %scan3A_144 = arith.constant 0.000000e+00 : f32
    %scan3A_145 = arith.constant 0 : i32
    %scan3A_146 = arith.constant 12 : i32
    %scan3A_147 = arith.addi %scan3A_145, %scan3A_146 : i32
    %scan3A_148 = arith.constant 1 : i32
    %scan3A_149:2 = scf.for %scan3A_157 = %scan3A_145 to %scan3A_147 step %scan3A_148 iter_args(%scan3A_158 = %broadcast_in_dim3A_143, %scan3A_159 = %scan3A_144) -> (vector<1024x4xf32>, f32)  : i32 {
      %mul3A_160 = arith.constant 512 : i32
      %mul3A_161 = arith.muli %scan3A_157, %mul3A_160 : i32
      %multiple_of3A = tpu.assume_multiple %mul3A_161, 512 : i32
      %get3A_162 = arith.constant 6 : index
      %get3A_163 = arith.index_cast %multiple_of3A : i32 to index
      %get3A_164 = vector.load %arg4[%get3A_162, %get3A_163] : memref<8x6144xf32, #tpu.memory_space<vmem>>, vector<1x512xf32>
      %get3A_165 = vector.shape_cast %get3A_164 : vector<1x512xf32> to vector<512xf32>
      %reshape3A = vector.shape_cast %get3A_165 : vector<512xf32> to vector<1x512xf32>
      %lt3A_166 = arith.constant 1.000000e+03 : f32
      %lt3A_167 = arith.cmpf olt, %scan3A_159, %lt3A_166 : f32
      %convert_element_type3A_168 = arith.extui %lt3A_167 : i1 to i32
      %cond3A = arith.constant 0 : i32
      %cond3A_169 = arith.cmpi ne, %convert_element_type3A_168, %cond3A : i32
      %cond3A_170 = scf.if %cond3A_169 -> (vector<1024x4xf32>) {
        %get3A_176 = arith.constant 7 : index
        %get3A_177 = arith.index_cast %multiple_of3A : i32 to index
        %get3A_178 = vector.load %arg4[%get3A_176, %get3A_177] : memref<8x6144xf32, #tpu.memory_space<vmem>>, vector<1x512xf32>
        %get3A_179 = vector.shape_cast %get3A_178 : vector<1x512xf32> to vector<512xf32>
        %reshape3A_180 = vector.shape_cast %get3A_179 : vector<512xf32> to vector<1x512xf32>
        %eq3A = vector.broadcast %reshape3A_180 : vector<1x512xf32> to vector<1024x512xf32>
        %eq3A_181 = arith.cmpf oeq, %add3A_141, %eq3A : vector<1024x512xf32>
        %convert_element_type3A_182 = arith.extui %eq3A_181 : vector<1024x512xi1> to vector<1024x512xi32>
        %convert_element_type3A_183 = arith.sitofp %convert_element_type3A_182 : vector<1024x512xi32> to vector<1024x512xf32>
        %mul3A_184 = vector.broadcast %reshape3A : vector<1x512xf32> to vector<1024x512xf32>
        %mul3A_185 = arith.mulf %convert_element_type3A_183, %mul3A_184 : vector<1024x512xf32>
        %get3A_186 = arith.constant 0 : index
        %get3A_187 = arith.index_cast %multiple_of3A : i32 to index
        %get3A_188 = vector.load %arg4[%get3A_186, %get3A_187] : memref<8x6144xf32, #tpu.memory_space<vmem>>, vector<1x512xf32>
        %get3A_189 = vector.shape_cast %get3A_188 : vector<1x512xf32> to vector<512xf32>
        %broadcast_in_dim3A_190 = vector.shape_cast %get3A_189 : vector<512xf32> to vector<512x1xf32>
        %get3A_191 = arith.constant 1 : index
        %get3A_192 = arith.index_cast %multiple_of3A : i32 to index
        %get3A_193 = vector.load %arg4[%get3A_191, %get3A_192] : memref<8x6144xf32, #tpu.memory_space<vmem>>, vector<1x512xf32>
        %get3A_194 = vector.shape_cast %get3A_193 : vector<1x512xf32> to vector<512xf32>
        %broadcast_in_dim3A_195 = vector.shape_cast %get3A_194 : vector<512xf32> to vector<512x1xf32>
        %get3A_196 = arith.constant 2 : index
        %get3A_197 = arith.index_cast %multiple_of3A : i32 to index
        %get3A_198 = vector.load %arg4[%get3A_196, %get3A_197] : memref<8x6144xf32, #tpu.memory_space<vmem>>, vector<1x512xf32>
        %get3A_199 = vector.shape_cast %get3A_198 : vector<1x512xf32> to vector<512xf32>
        %broadcast_in_dim3A_200 = vector.shape_cast %get3A_199 : vector<512xf32> to vector<512x1xf32>
        %get3A_201 = arith.constant 3 : index
        %get3A_202 = arith.index_cast %multiple_of3A : i32 to index
        %get3A_203 = vector.load %arg4[%get3A_201, %get3A_202] : memref<8x6144xf32, #tpu.memory_space<vmem>>, vector<1x512xf32>
        %get3A_204 = vector.shape_cast %get3A_203 : vector<1x512xf32> to vector<512xf32>
        %broadcast_in_dim3A_205 = vector.shape_cast %get3A_204 : vector<512xf32> to vector<512x1xf32>
        %concatenate3A = tpu.concatenate %broadcast_in_dim3A_190, %broadcast_in_dim3A_195, %broadcast_in_dim3A_200, %broadcast_in_dim3A_205 in 1 : vector<512x1xf32>, vector<512x1xf32>, vector<512x1xf32>, vector<512x1xf32> -> vector<512x4xf32>
        %dot_general3A = arith.constant dense<0.000000e+00> : vector<1024x4xf32>
        %dot_general3A_206 = tpu.matmul %mul3A_185, %concatenate3A, %dot_general3A {dimension_numbers = #tpu.dot_dimension_numbers<[1], [0], [0], [1], [0, 0, 1, 1], [], []>, precision = #tpu.contract_precision<fp32>, transpose_lhs_hint = false} : vector<1024x512xf32>, vector<512x4xf32>, vector<1024x4xf32> -> vector<1024x4xf32>
        %add3A_207 = arith.addf %scan3A_158, %dot_general3A_206 : vector<1024x4xf32>
        scf.yield %add3A_207 : vector<1024x4xf32>
      } else {
        scf.yield %scan3A_158 : vector<1024x4xf32>
      }
      %reduce_sum3A = vector.shape_cast %reshape3A : vector<1x512xf32> to vector<1x1x512xf32>
      %reduce_sum3A_171 = arith.constant dense<0.000000e+00> : vector<1xf32>
      %reduce_sum3A_172 = vector.multi_reduction <add>, %reduce_sum3A, %reduce_sum3A_171 [1, 2] : vector<1x1x512xf32> to vector<1xf32>
      %reduce_sum3A_173 = vector.shape_cast %reduce_sum3A_172 : vector<1xf32> to vector<1x1x1xf32>
      %reduce_sum3A_174 = vector.extract %reduce_sum3A_173[0, 0, 0] : f32 from vector<1x1x1xf32>
      %add3A_175 = arith.addf %scan3A_159, %reduce_sum3A_174 : f32
      scf.yield %cond3A_170, %add3A_175 : vector<1024x4xf32>, f32
    }
    %scan3A_150 = arith.constant 12 : i32
    %slice3A = vector.extract_strided_slice %scan3A_149#0 {offsets = [0, 0], sizes = [1000, 4], strides = [1, 1]} : vector<1024x4xf32> to vector<1000x4xf32>
    %swap3A_151 = arith.constant 0 : index
    %swap3A_152 = arith.constant 0 : index
    %swap3A_153 = arith.constant 0 : index
    %swap3A_154 = vector.load %arg3[%swap3A_151, %swap3A_152, %swap3A_153] : memref<1x1000x4xf32, #tpu.memory_space<vmem>>, vector<1x1000x4xf32>
    %swap3A_155 = vector.shape_cast %swap3A_154 : vector<1x1000x4xf32> to vector<1000x4xf32>
    %swap3A_156 = vector.shape_cast %slice3A : vector<1000x4xf32> to vector<1x1000x4xf32>
    tpu.vector_store %arg3[%swap3A_151, %swap3A_152, %swap3A_153], %swap3A_156 {strides = array<i32>} : memref<1x1000x4xf32, #tpu.memory_space<vmem>>, vector<1x1000x4xf32>,
    return
  }
  func.func @transform_0(%arg0: i32) -> (i32, i32, i32) {
    %c0_i32 = arith.constant 0 : i32
    %c0_i32_0 = arith.constant 0 : i32
    %c0_i32_1 = arith.constant 0 : i32
    return %arg0, %c0_i32, %c0_i32_0 : i32, i32, i32
  }
  func.func @transform_1(%arg0: i32) -> (i32, i32, i32) {
    %c0_i32 = arith.constant 0 : i32
    %c0_i32_0 = arith.constant 0 : i32
    %c0_i32_1 = arith.constant 0 : i32
    return %arg0, %c0_i32, %c0_i32_0 : i32, i32, i32
  }
  func.func @transform_2(%arg0: i32) -> (i32, i32, i32) {
    %c0_i32 = arith.constant 0 : i32
    %c0_i32_0 = arith.constant 0 : i32
    %c0_i32_1 = arith.constant 0 : i32
    return %arg0, %c0_i32, %c0_i32_0 : i32, i32, i32
  }
}

</mosaic_0001>

<sc_bundles>
// kernel: gather_offload_async_start.1
scs
__scs_entry_jumppad:
0x0: {  	(pc) =	sbr.rel $0x88, $3  }
0x1: {  	(tag) =	ssettag $0x0;
	lr =	simm.s32 $0x1  }
0x2: {  	[smem:$0x3F9E] =	sst lr;
	_ =	strace $0xD0000000  }
0x3: {  	_ = 	snop  }
0x4: {  	_ = 	snop  }
0x5: {  	_ = 	snop  }
0x6: {  	_ = 	snop  }
0x7: {  	_ = 	snop  }
__scs_overlays_trampoline_lowered:
0x8: {  	[smem:$0x3FAD] =	sst s0  }
0x9: {  	[smem:$0x3FAE] =	sst s1  }
0xa: {  	[smem:$0x3FAF] =	sst s2  }
0xb: {  	[smem:$0x3FB0] =	sst s3  }
0xc: {  	[smem:$0x3FB1] =	sst s4  }
0xd: {  	[smem:$0x3FB2] =	sst s5  }
0xe: {  	[smem:$0x3FB3] =	sst s6  }
0xf: {  	[smem:$0x3FB4] =	sst s7  }
0x10: {  	[smem:$0x3FB5] =	sst s8  }
0x11: {  	[smem:$0x3FB6] =	sst s9;
	s0 =	simm.s32 @!p0 $0x0  }
0x12: {  	s1 =	sld [smem:$0x3F9C];
	s0 =	simm.s32 @p0 $0x1  }
0x13: {  	[smem:$0x3FB7] =	sst s0;
	s0 =	simm.s32 @!p1 $0x0  }
0x14: {  	s2 =	sld [smem:$0x3F9B];
	s0 =	simm.s32 @p1 $0x1  }
0x15: {  	[smem:$0x3FB8] =	sst s0;
	s0 =	simm.s32 @!p2 $0x0  }
0x16: {  	s3 =	sld [smem:$0x3FDB];
	s0 =	simm.s32 @p2 $0x1  }
0x17: {  	s4 =	simm.s32 $0x1BF5;
	[smem:$0x3FBA] =	sst s0  }
0x18: {  	s0 =	sld [smem:$0x3F9D];
	_ =	swait.ge [sflag:s4], $0x0  }
0x19: {  	s7 =	sld [smem:$0x3F9E]  }
0x1a: {  	s8 =	sadd.s32 $0xFFFFE003, lr  }
0x1b: {  	s9 =	sadd.s32 $0xFFFFFEF7, lr;
	s5 =	simm.s32 $0xFFFFFFFF;
	p2 =	slt.u32 s8, $0xFFFFF086  }
0x1c: {  	p1 =	slt.u32 s9, $0xF7A;
	s5 =	simm.s32 @!p2 $0x0  }
0x1d: {  	s5 =	simm.s32 @p1 $0x1;
	p0 =	seq.s32 s7, s2  }
0x1e: {  	s7 =	smul.u32 @!p0 $0xF7A, s2;
	p2 =	seq.s32 @!p0 s5, $0x0  }
0x1f: {  	s9 =	smul.u32 $0xF7A, s1;
	s8 =	simm.s32 @!p0 $0x1BF5;
	p2 =	por !p2, p0  }
0x20: {  	[sflag:s8] =	ssyncset.s32 @!p0 $0xFFFFF086;
	s6 =	sadd.s32 @!p0 s3, s7;
	s7 =	simm.s32 @!p0 $0x108  }
0x21: {  	s3 =	sadd.s32 s3, s9;
	s6 =	sadd.s32 @!p0 $0x88, s6;
	s7 =	simm.s32 @p2 $0x1082  }
0x22: {  	[simem:s7], [sflag:s8] =	dma.local @!p0 [hbm:s6], $0xF7A  }
0x23: {  	s9 =	sor.u32 $0xD0000000, s2;
	s6 =	simm.s32 $0x108;
	_ =	swait.ge @!p0 [sflag:s8], $0x0  }
0x24: {  	s3 =	sadd.s32 $0x88, s3;
	s6 =	simm.s32 @!p1 $0x1082;
	[sflag:s4] =	ssyncset.s32 $0xFFFFF086  }
0x25: {  	[simem:s6], [sflag:s4] =	dma.local [hbm:s3], $0xF7A  }
0x26: {  	[smem:$0x3F9E] =	sst s1;
	(tag) =	ssettag s2;
	_ =	strace s9  }
0x27: {  	s1 =	sld [smem:$0x3FAE]  }
0x28: {  	s2 =	sld [smem:$0x3FAF]  }
0x29: {  	s4 =	sld [smem:$0x3FB1]  }
0x2a: {  	p0 =	seq.s32 s5, $0x0;
	s5 =	sld [smem:$0x3FB2]  }
0x2b: {  	s6 =	sld [smem:$0x3FB3]  }
0x2c: {  	s7 =	sld [smem:$0x3FB4]  }
0x2d: {  	s3 =	simm.s32 $0x108;
	s8 =	sld [smem:$0x3FB5]  }
0x2e: {  	s3 =	simm.s32 @!p0 $0x1082;
	s9 =	sld [smem:$0x3FB6]  }
0x2f: {  	lr =	sadd.s32 s0, s3;
	s0 =	sld [smem:$0x3FAD]  }
0x30: {  	s3 =	sld [smem:$0x3FB0]  }
0x31: {  	[smem:$0x3FB9] =	sst s10  }
0x32: {  	s10 =	sld [smem:$0x3FB7];
	_ =	sdelay $0x3  }
0x33: {  	p0 =	seq.s32 s10, $0x1;
	s10 =	sld [smem:$0x3FB9];
	_ =	sdelay $0x3  }
0x34: {  	[smem:$0x3FB9] =	sst s10  }
0x35: {  	s10 =	sld [smem:$0x3FB8];
	_ =	sdelay $0x3  }
0x36: {  	p1 =	seq.s32 s10, $0x1;
	s10 =	sld [smem:$0x3FB9];
	_ =	sdelay $0x3  }
0x37: {  	[smem:$0x3FB9] =	sst s10  }
0x38: {  	s10 =	sld [smem:$0x3FBA]  }
0x39: {  	_ = 	snop;
	(pc) =	sbr.ind lr, $3  }
0x3a: {  	_ = 	snop  }
0x3b: {  	_ = 	snop  }
0x3c: {  	p2 =	seq.s32 s10, $0x1;
	s10 =	sld [smem:$0x3FB9]  }
0x3d: {  	_ =	shalt  }
0x3e: {  	_ =	shalt  }
0x3f: {  	_ =	shalt  }
0x40: {  	_ =	shalt  }
0x41: {  	_ =	shalt  }
0x42: {  	_ =	shalt  }
0x43: {  	_ =	shalt  }
0x44: {  	_ =	shalt  }
0x45: {  	_ =	shalt  }
0x46: {  	_ =	shalt  }
0x47: {  	_ =	shalt  }
0x48: {  	_ =	shalt  }
0x49: {  	_ =	shalt  }
0x4a: {  	_ =	shalt  }
0x4b: {  	_ =	shalt  }
0x4c: {  	_ =	shalt  }
0x4d: {  	_ =	shalt  }
0x4e: {  	_ =	shalt  }
0x4f: {  	_ =	shalt  }
0x50: {  	_ =	shalt  }
0x51: {  	_ =	shalt  }
0x52: {  	_ =	shalt  }
0x53: {  	_ =	shalt  }
0x54: {  	_ =	shalt  }
0x55: {  	_ =	shalt  }
0x56: {  	_ =	shalt  }
0x57: {  	_ =	shalt  }
0x58: {  	_ =	shalt  }
0x59: {  	_ =	shalt  }
0x5a: {  	_ =	shalt  }
0x5b: {  	_ =	shalt  }
0x5c: {  	_ =	shalt  }
0x5d: {  	_ =	shalt  }
0x5e: {  	_ =	shalt  }
0x5f: {  	_ =	shalt  }
0x60: {  	_ =	shalt  }
0x61: {  	_ =	shalt  }
0x62: {  	_ =	shalt  }
0x63: {  	_ =	shalt  }
0x64: {  	_ =	shalt  }
0x65: {  	_ =	shalt  }
0x66: {  	_ =	shalt  }
0x67: {  	_ =	shalt  }
0x68: {  	_ =	shalt  }
0x69: {  	_ =	shalt  }
0x6a: {  	_ =	shalt  }
0x6b: {  	_ =	shalt  }
0x6c: {  	_ =	shalt  }
0x6d: {  	_ =	shalt  }
0x6e: {  	_ =	shalt  }
0x6f: {  	_ =	shalt  }
0x70: {  	_ =	shalt  }
0x71: {  	_ =	shalt  }
0x72: {  	_ =	shalt  }
0x73: {  	_ =	shalt  }
0x74: {  	_ =	shalt  }
0x75: {  	_ =	shalt  }
0x76: {  	_ =	shalt  }
0x77: {  	_ =	shalt  }
0x78: {  	_ =	shalt  }
0x79: {  	_ =	shalt  }
0x7a: {  	_ =	shalt  }
0x7b: {  	_ =	shalt  }
0x7c: {  	_ =	shalt  }
0x7d: {  	_ =	shalt  }
0x7e: {  	_ =	shalt  }
0x7f: {  	_ =	shalt  }
0x80: {  	_ =	shalt  }
0x81: {  	_ =	shalt  }
0x82: {  	_ =	shalt  }
0x83: {  	_ =	shalt  }
0x84: {  	_ =	shalt  }
0x85: {  	_ =	shalt  }
0x86: {  	_ =	shalt  }
0x87: {  	_ =	shalt  }
.Lfunc_end0:
.L_simem_size_0:
called_computation.1_lowered:
.L_overlay_start_0:
0x88: {  	s2 =	sld [smem:$0x3FD9]  }
0x89: {  	s3 =	sld [smem:$0x3FFE];
	_ =	sdelay $0x1  }
0x8a: {  	s1 =	srdreg.scid  }
0x8b: {  	s0 =	sand.u32 $0x1, s1  }
0x8c: {  	s16 =	sshll.u32 s0, $0xA;
	s2 =	sadd.s32 s3, s2  }
0x8d: {  	s2 =	sadd.s32 s2, s16  }
0x8e: {  	[smem:$0x3FC5] =	sst s2  }
0x8f: {  	_ = 	snop  }
0x90: {  	(tm) =	ssettm $0x1  }
0x91: {  	s17 =	sld [smem:$0x3FFB];
	_ =	sdelay $0x3  }
0x92: {  	_ =	strace s17  }
0x93: {  	s2 =	sld [smem:$0x3FFC];
	_ =	sdelay $0x3  }
0x94: {  	_ =	strace s2  }
0x95: {  	s2 =	sld [smem:$0x3FFD];
	_ =	sdelay $0x3  }
0x96: {  	_ =	strace s2  }
0x97: {  	_ =	strace $0x8FFFFFFF  }
0x98: {  	s18 =	sld [smem:$0x3FDB];
	_ =	sdelay $0x1  }
0x99: {  	s19 =	simm.s32 $_scs_section_size  }
0x9a: {  	s4 =	simm.s32 $_size__tile_overlayer_lowered;
	s5 =	simm.s32 $_tile_overlayer_lowered  }
0x9b: {  	s22 =	simm.s32 $0x1BFF;
	s21 =	sshll.u32 s5, $0x1;
	s2 =	sadd.s32 s19, s18  }
0x9c: {  	s6 =	simm.s32 $0x0;
	s20 =	sshll.u32 s4, $0x1;
	s4 =	sadd.s32 s21, s2  }
0x9d: {  	[timem:s6], [sflag:s22] =	dma.local [hbm:s4], s20  }
0x9e: {  	_ =	swait.ge [sflag:s22], s20  }
0x9f: {  	s3 =	ssub.s32 $0x0, s20;
	[sflag:s22] =	ssyncset.done $0x0  }
0xa0: {  	[sflag:s22] =	ssyncadd.s32 s3;
	_ =	sdelay $0x1  }
0xa1: {  	s23 =	simm.s32 $0x1B8B  }
0xa2: {  	_ =	swait.ge [sflag:s23], $0x1  }
0xa3: {  	[sflag:s23] =	ssyncset.done $0x0  }
0xa4: {  	s25 =	simm.s32 $0x1B8E;
	s24 =	sld [smem:$0x3FFE];
	[sflag:s23] =	ssyncadd.s32 $0xFFFFFFFF  }
0xa5: {  	s26 =	simm.s32 $execute0_lowered;
	[smem:$0x3FD2] =	sst s25  }
0xa6: {  	s4 =	sshll.u32 s26, $0x1;
	_ =	strace $0x80000046;
	[dreg:$0x1] =	wrdreg $0xFFFFFFFF  }
0xa7: {  	s28 =	simm.s32 $_size_execute0_lowered;
	s2 =	sadd.s32 s2, s4;
	[dreg:$0x0] =	wrdreg $0x0  }
0xa8: {  	s4 =	sshll.u32 s28, $0x1;
	[dreg:$0x2] =	wrdreg s2  }
0xa9: {  	[dreg:$0x3] =	wrdreg s4  }
0xaa: {  	[dreg:$0x4] =	wrdreg $0xC0  }
0xab: {  	_ =	task [dreg:s6], $0x5FFFF  }
0xac: {  	[dreg:$0x1] =	wrdreg $0xFFFFFFFF  }
0xad: {  	[dreg:$0x0] =	wrdreg $0x60  }
0xae: {  	[dreg:$0x2] =	wrdreg s24  }
0xaf: {  	[dreg:$0x3] =	wrdreg $0xA  }
0xb0: {  	_ =	task.clear_ibuf [dreg:s6], $0x4FFFF;
	_ =	strace $0x90000046  }
0xb1: {  	s29 =	simm.s32 $0xA;
	_ =	strace $0x80000048  }
0xb2: {  	_ =	swait.ge [sflag:s29], $0x1  }
0xb3: {  	[sflag:s29] =	ssyncadd.s32 $0xFFFFFFFF  }
0xb4: {  	_ =	strace $0x90000048  }
0xb5: {  	_ =	sfence  }
0xb6: {  	s30 =	sld [smem:$0x0];
	_ =	sdelay $0x2  }
0xb7: {  	s31 =	sshll.u32 s1, $0xD;
	s1 =	sshrl.u32 s1, $0x2  }
0xb8: {  	s3 =	sand.u32 $0x4000, s31;
	s1 =	sadd.s32 s1, s30  }
0xb9: {  	s0 =	sor.u32 s3, s0;
	s1 =	sshll.u32 s1, $0x11  }
0xba: {  	s0 =	sor.u32 s1, s0  }
0xbb: {  	s0 =	sadd.s32 $0x8F2B, s0  }
0xbc: {  	[sflag:s0] =	ssyncadd.remote.s32 $0x1  }
0xbd: {  	_ =	sfence.sel $0xFFFF  }
0xbe: {  	[dreg:$0x0] =	wrdreg $0xFFFFFFFF;
	(pc) =	sbr.abs _section_cstart, $3  }
0xbf: {  	[dreg:$0x1] =	wrdreg $0xFFFFFFFF  }
0xc0: {  	_ =	task.clear_ibuf [dreg:s6], $0x2FFFF;
	_ =	strace $0x9FFFFFFF  }
0xc1: {  	(tm) =	ssettm $0x7FFFFFFF  }
tec
execute0_lowered:
.L_overlay_start_1:
0x0: {  	(tag) =	ssettag $0x1  }
0x1: {  	s0 =	srdreg.scid;
	s2 =	rddreg [dreg:$0x0]  }
0x2: {  	s1 =	stileid.u32;
	s5 =	simm.s32 $0x2;
	s9 =	simm.s32 $0x3  }
0x3: {  	s3 =	sshll.u32 s0, $0x4;
	s0 =	rddreg [dreg:$0x1];
	_ =	strace $0x80000047  }
.Ltmp0:
0x4: {  	s4 =	sand.u32 $0x10, s3;
	s3 =	simm.s32 $0x1;
	(pc) =	sbr.rel .LBB2_1-.Ltmp0, $4  }
0x5: {  	s12 =	simm.s32 $0x0;
	s4 =	sor.u32 s1, s4;
	[sflag:s3] =	ssyncpa.u1 $0x0  }
0x6: {  	s10 =	simm.s32 $0x0;
	s4 =	smul.u32 $0x180, s4;
	[sflag:s5] =	ssyncpa.u1 $0x0  }
0x7: {  	s6 =	sadd.s32 $0x600, s2;
	s7 =	sadd.s32 $0x9CA00, s2;
	[sflag:s9] =	ssyncpa.u1 $0x0  }
0x8: {  	v0 =	vimm.s32 $0x0;
	vm0 =	vmmov $0xff;
	vm1 =	vcmask $0x3F20;
	s9 =	simm.s32 $0x180;
	s8 =	sadd.s32 $0x180, s4;
	s11 =	smov.u32 s4  }
.LBB2_10:
0x9: {  	s12 =	sshrl.u32 s11, $0x3  }
0xa: {  	s13 =	sand.u32 $0x7, s11;
	s12 =	sadd.s32 s2, s12  }
0xb: {  	[tilespmem:s9], [sflag:$0x2] =	stream.linear.gather [hbm4b:s12+s13], $0x180, $0x38;
	[tilespmem:$0x18300] =	vst v63  }
.LBB2_8:
0xc: {  	s12 =	sadd.s32 $0x180, s11  }
0xd: {  	s13 =	smov.u32 s4;
	p0 =	slt.s32 s12, s8  }
0xe: {  	s13 =	smov.u32 @p0 s12  }
0xf: {  	s10 =	sadd.s32 $0x1, s10;
	s12 =	smov.u32 s11;
	s11 =	smov.u32 s13  }
.LBB2_1:
0x10: {  	p0 =	seq.s32 s10, $0x0  }
.Ltmp1:
0x11: {  	_ = 	snop;
	(pc) =	sbr.rel @p0 .LBB2_10-.Ltmp1, $1  }
0x12: {  	_ =	sdelay $0x3  }
0x13: {  	p0 =	seq.s32 s10, $0x1  }
.Ltmp2:
0x14: {  	_ = 	snop;
	(pc) =	sbr.rel @!p0 .LBB2_9-.Ltmp2, $1  }
0x15: {  	_ =	sdelay $0x3  }
0x16: {  	_ =	swait.ge [sflag:s5], $0x180  }
0x17: {  	[sflag:s5] =	ssyncset.done $0x0  }
0x18: {  	s13 =	simm.s32 $0x0;
	[sflag:s5] =	ssyncadd.s32 $0xFFFFFE80  }
0x19: {  	v1 =	vld.msk [tilespmem:s13+$0x180 ss:$0x1], $0xffff;
	_ =	sdelay $0x4  }
0x1a: {  	v2 =	vand.u32 $0x1, v1;
	v3 =	vshll.u32 v1, $0x6  }
0x1b: {  	vm2 =	veq.s32 v1, $0x80000000;
	vm3 =	veq.s32 v2, $0x1;
	v1 =	vand.u32 $0x3FFF80, v3  }
0x1c: {  	v2 =	vsel vm3, $0x271000, v0;
	v1 =	vsel vm2, $0xFFFFFF80, v1  }
0x1d: {  	v2 =	vsel vm2, $0xFFD8F000, v2;
	v3 =	vand.u32 $0xFFFFFC00, v1  }
0x1e: {  	v1 =	vand.u32 $0x380, v1;
	v2 =	vadd.s32 v2, v3  }
0x1f: {  	v1 =	vor.u32 v1, v2  }
0x20: {  	v1 =	vshrl.u32 v1, $0x3;
	_ =	sdelay $0x3  }
0x21: {  	s13 =	simm.s32 $0xC300  }
0x22: {  	[tilespmem:s13], [sflag:$0x1] =	stream.indirect_vreg.gather [hbm:s6], $0x80, v1, vm0, $0x38;
	[tilespmem:$0x18300] =	vst v63  }
0x23: {  	s14 =	simm.s32 $0xC700;
	s31 =	simm.s32 $0x10  }
0x24: {  	[tilespmem:s14], [sflag:$0x1] =	stream.indirect_vreg.gather [hbm:s6], $0x80, v1, vm1, $0x38;
	[tilespmem:$0x18300] =	vst v63  }
0x25: {  	s14 =	simm.s32 $0x80;
	v1 =	vld.msk [tilespmem:s31+$0x180 ss:$0x1], $0xffff  }
.LBB2_4:
0x26: {  	p0 =	sne.s32 s14, $0x5C0;
	_ =	sdelay $0x4  }
0x27: {  	v2 =	vand.u32 $0x1, v1;
	v3 =	vshll.u32 v1, $0x6  }
0x28: {  	vm2 =	veq.s32 v1, $0x80000000;
	vm3 =	veq.s32 v2, $0x1;
	v1 =	vand.u32 $0x3FFF80, v3  }
0x29: {  	v2 =	vsel vm3, $0x271000, v0;
	v1 =	vsel vm2, $0xFFFFFF80, v1  }
0x2a: {  	v2 =	vsel vm2, $0xFFD8F000, v2;
	v3 =	vand.u32 $0xFFFFFC00, v1  }
0x2b: {  	v1 =	vand.u32 $0x380, v1;
	v2 =	vadd.s32 v2, v3  }
0x2c: {  	v1 =	vor.u32 v1, v2  }
0x2d: {  	v1 =	vshrl.u32 v1, $0x3;
	_ =	sdelay $0x3  }
.Ltmp3:
0x2e: {  	s13 =	sadd.s32 $0x800, s13;
	(pc) =	sbr.rel @p0 .LBB2_4-.Ltmp3, $4  }
0x2f: {  	[tilespmem:s13], [sflag:$0x1] =	stream.indirect_vreg.gather [hbm:s6], $0x80, v1, vm0, $0x38;
	[tilespmem:$0x18300] =	vst v63  }
0x30: {  	s15 =	sshra.s32 s14, $0x2;
	s16 =	sadd.s32 $0x400, s13  }
0x31: {  	[tilespmem:s16], [sflag:$0x1] =	stream.indirect_vreg.gather [hbm:s6], $0x80, v1, vm1, $0x38;
	[tilespmem:$0x18300] =	vst v63  }
0x32: {  	s14 =	sadd.s32 $0x40, s14;
	v1 =	vld.msk [tilespmem:s15+$0x180 ss:$0x1], $0xffff  }
0x33: {  	_ =	sdelay $0x3  }
0x34: {  	v2 =	vand.u32 $0x1, v1;
	v3 =	vshll.u32 v1, $0x6  }
0x35: {  	vm2 =	veq.s32 v1, $0x80000000;
	vm3 =	veq.s32 v2, $0x1;
	v1 =	vand.u32 $0x3FFF80, v3  }
0x36: {  	v2 =	vsel vm3, $0x271000, v0;
	v1 =	vsel vm2, $0xFFFFFF80, v1  }
0x37: {  	v2 =	vsel vm2, $0xFFD8F000, v2;
	v3 =	vand.u32 $0xFFFFFC00, v1  }
0x38: {  	v1 =	vand.u32 $0x380, v1;
	v2 =	vadd.s32 v2, v3  }
0x39: {  	v1 =	vor.u32 v1, v2  }
0x3a: {  	v1 =	vshrl.u32 v1, $0x3;
	_ =	sdelay $0x3  }
0x3b: {  	s13 =	sadd.s32 $0x800, s13  }
0x3c: {  	[tilespmem:s13], [sflag:$0x1] =	stream.indirect_vreg.gather [hbm:s6], $0x80, v1, vm0, $0x38;
	[tilespmem:$0x18300] =	vst v63  }
0x3d: {  	s13 =	sadd.s32 $0x400, s13  }
0x3e: {  	[tilespmem:s13], [sflag:$0x1] =	stream.indirect_vreg.gather [hbm:s6], $0x80, v1, vm1, $0x38;
	[tilespmem:$0x18300] =	vst v63  }
0x3f: {  	s12 =	sshll.u32 s12, $0x4;
	s14 =	simm.s32 $0x80;
	_ =	swait.ge [sflag:s3], $0xC000  }
0x40: {  	s15 =	simm.s32 $0xC700;
	s12 =	sadd.s32 s12, s7;
	[sflag:s3] =	ssyncset.done $0x0  }
0x41: {  	s16 =	sadd.s32 $0x0, s12;
	s13 =	simm.s32 $0xC300;
	[sflag:s3] =	ssyncadd.s32 $0xFFFF4000  }
.LBB2_6:
0x42: {  	[hbm:s16] =	stream.linear.scatter [tilespmem:s13], [sflag:$0x3], $0x400, $0x38;
	[tilespmem:$0x18300] =	vst v63  }
0x43: {  	s16 =	smov.u32 s14;
	s13 =	smov.u32 s15;
	p0 =	seq.s32 s14, $0x1780  }
.Ltmp4:
0x44: {  	s14 =	sadd.s32 $0x80, s14;
	(pc) =	sbr.rel @!p0 .LBB2_6-.Ltmp4, $2  }
0x45: {  	_ =	sdelay $0x2  }
0x46: {  	s15 =	sadd.s32 $0x400, s15;
	s16 =	sadd.s32 s16, s12  }
.Ltmp5:
0x47: {  	(pc) =	sbr.rel .LBB2_8-.Ltmp5, $2  }
0x48: {  	_ =	sdelay $0x2  }
0x49: {  	[hbm:s16] =	stream.linear.scatter [tilespmem:s13], [sflag:$0x3], $0x400, $0x38;
	[tilespmem:$0x18300] =	vst v63  }
.LBB2_9:
0x4a: {  	s2 =	simm.s32 $0x3  }
0x4b: {  	_ =	swait.ge [sflag:s2], $0xC000  }
0x4c: {  	[sflag:s2] =	ssyncset.done $0x0  }
0x4d: {  	[sflag:s2] =	ssyncadd.s32 $0xFFFF4000  }
0x4e: {  	_ =	sfence.sel $0x180000  }
0x4f: {  	s3 =	simm.s32 $0x2;
	[bflag:$0x0] =	sbarrier.arrive $0xFFFF  }
0x50: {  	[sflag:s3] =	ssyncpa.u1 $0x1  }
0x51: {  	s31 =	simm.s32 $0x1;
	[sflag:s2] =	ssyncpa.u1 $0x1  }
0x52: {  	[sflag:s31] =	ssyncpa.u1 $0x1  }
0x53: {  	p0 =	sne.s32 s1, $0x0;
	_ =	strace $0x90000047  }
0x54: {  	s0 =	sadd.s32 @!p0 $0x100000, s0;
	[bflag:$0x2] =	sbarrier.arrive $0xFFFF  }
0x55: {  	[sflag:s0] =	ssyncadd.tile.s32 @!p0 $0x1;
	_ =	shalt  }
.Lfunc_end2:
_tile_overlayer_lowered:
.L_overlay_start_2:
0x56: {  	(tag) =	ssettag $0x2  }
0x57: {  	s0 =	rddreg [dreg:$0x0];
	s2 =	stileid.u32  }
0x58: {  	s1 =	rddreg [dreg:$0x1];
	p0 =	sne.s32 s2, $0x0  }
0x59: {  	s3 =	rddreg [dreg:$0x2];
	[bflag:$0x3] =	sbarrier.arrive $0xFFFF;
	s2 =	simm.s32 @!p0 $0x1C01  }
0x5a: {  	[timem:s3], [sflag:s2] =	dma.local @!p0 [hbm:s0], s1  }
0x5b: {  	s0 =	simm.s32 @!p0 $0x1  }
0x5c: {  	_ =	swait.ge @!p0 [sflag:s0], s1  }
0x5d: {  	s1 =	ssub.s32 @!p0 $0x0, s1;
	[sflag:s0] =	ssyncset.done @!p0 $0x0  }
0x5e: {  	[sflag:s0] =	ssyncadd.s32 @!p0 s1  }
0x5f: {  	[bflag:$0x3] =	sbarrier.arrive $0xFFFF  }
0x60: {  	_ =	shalt  }

// kernel: gather_offload_async_start
scs
__scs_entry_jumppad:
0x0: {  	(pc) =	sbr.rel $0x88, $3  }
0x1: {  	(tag) =	ssettag $0x0;
	lr =	simm.s32 $0x1  }
0x2: {  	[smem:$0x3F9E] =	sst lr;
	_ =	strace $0xD0000000  }
0x3: {  	_ = 	snop  }
0x4: {  	_ = 	snop  }
0x5: {  	_ = 	snop  }
0x6: {  	_ = 	snop  }
0x7: {  	_ = 	snop  }
__scs_overlays_trampoline_lowered:
0x8: {  	[smem:$0x3FAD] =	sst s0  }
0x9: {  	[smem:$0x3FAE] =	sst s1  }
0xa: {  	[smem:$0x3FAF] =	sst s2  }
0xb: {  	[smem:$0x3FB0] =	sst s3  }
0xc: {  	[smem:$0x3FB1] =	sst s4  }
0xd: {  	[smem:$0x3FB2] =	sst s5  }
0xe: {  	[smem:$0x3FB3] =	sst s6  }
0xf: {  	[smem:$0x3FB4] =	sst s7  }
0x10: {  	[smem:$0x3FB5] =	sst s8  }
0x11: {  	[smem:$0x3FB6] =	sst s9;
	s0 =	simm.s32 @!p0 $0x0  }
0x12: {  	s1 =	sld [smem:$0x3F9C];
	s0 =	simm.s32 @p0 $0x1  }
0x13: {  	[smem:$0x3FB7] =	sst s0;
	s0 =	simm.s32 @!p1 $0x0  }
0x14: {  	s2 =	sld [smem:$0x3F9B];
	s0 =	simm.s32 @p1 $0x1  }
0x15: {  	[smem:$0x3FB8] =	sst s0;
	s0 =	simm.s32 @!p2 $0x0  }
0x16: {  	s3 =	sld [smem:$0x3FDB];
	s0 =	simm.s32 @p2 $0x1  }
0x17: {  	s4 =	simm.s32 $0x1BF5;
	[smem:$0x3FBA] =	sst s0  }
0x18: {  	s0 =	sld [smem:$0x3F9D];
	_ =	swait.ge [sflag:s4], $0x0  }
0x19: {  	s7 =	sld [smem:$0x3F9E]  }
0x1a: {  	s8 =	sadd.s32 $0xFFFFE003, lr  }
0x1b: {  	s9 =	sadd.s32 $0xFFFFFEF7, lr;
	s5 =	simm.s32 $0xFFFFFFFF;
	p2 =	slt.u32 s8, $0xFFFFF086  }
0x1c: {  	p1 =	slt.u32 s9, $0xF7A;
	s5 =	simm.s32 @!p2 $0x0  }
0x1d: {  	s5 =	simm.s32 @p1 $0x1;
	p0 =	seq.s32 s7, s2  }
0x1e: {  	s7 =	smul.u32 @!p0 $0xF7A, s2;
	p2 =	seq.s32 @!p0 s5, $0x0  }
0x1f: {  	s9 =	smul.u32 $0xF7A, s1;
	s8 =	simm.s32 @!p0 $0x1BF5;
	p2 =	por !p2, p0  }
0x20: {  	[sflag:s8] =	ssyncset.s32 @!p0 $0xFFFFF086;
	s6 =	sadd.s32 @!p0 s3, s7;
	s7 =	simm.s32 @!p0 $0x108  }
0x21: {  	s3 =	sadd.s32 s3, s9;
	s6 =	sadd.s32 @!p0 $0x88, s6;
	s7 =	simm.s32 @p2 $0x1082  }
0x22: {  	[simem:s7], [sflag:s8] =	dma.local @!p0 [hbm:s6], $0xF7A  }
0x23: {  	s9 =	sor.u32 $0xD0000000, s2;
	s6 =	simm.s32 $0x108;
	_ =	swait.ge @!p0 [sflag:s8], $0x0  }
0x24: {  	s3 =	sadd.s32 $0x88, s3;
	s6 =	simm.s32 @!p1 $0x1082;
	[sflag:s4] =	ssyncset.s32 $0xFFFFF086  }
0x25: {  	[simem:s6], [sflag:s4] =	dma.local [hbm:s3], $0xF7A  }
0x26: {  	[smem:$0x3F9E] =	sst s1;
	(tag) =	ssettag s2;
	_ =	strace s9  }
0x27: {  	s1 =	sld [smem:$0x3FAE]  }
0x28: {  	s2 =	sld [smem:$0x3FAF]  }
0x29: {  	s4 =	sld [smem:$0x3FB1]  }
0x2a: {  	p0 =	seq.s32 s5, $0x0;
	s5 =	sld [smem:$0x3FB2]  }
0x2b: {  	s6 =	sld [smem:$0x3FB3]  }
0x2c: {  	s7 =	sld [smem:$0x3FB4]  }
0x2d: {  	s3 =	simm.s32 $0x108;
	s8 =	sld [smem:$0x3FB5]  }
0x2e: {  	s3 =	simm.s32 @!p0 $0x1082;
	s9 =	sld [smem:$0x3FB6]  }
0x2f: {  	lr =	sadd.s32 s0, s3;
	s0 =	sld [smem:$0x3FAD]  }
0x30: {  	s3 =	sld [smem:$0x3FB0]  }
0x31: {  	[smem:$0x3FB9] =	sst s10  }
0x32: {  	s10 =	sld [smem:$0x3FB7];
	_ =	sdelay $0x3  }
0x33: {  	p0 =	seq.s32 s10, $0x1;
	s10 =	sld [smem:$0x3FB9];
	_ =	sdelay $0x3  }
0x34: {  	[smem:$0x3FB9] =	sst s10  }
0x35: {  	s10 =	sld [smem:$0x3FB8];
	_ =	sdelay $0x3  }
0x36: {  	p1 =	seq.s32 s10, $0x1;
	s10 =	sld [smem:$0x3FB9];
	_ =	sdelay $0x3  }
0x37: {  	[smem:$0x3FB9] =	sst s10  }
0x38: {  	s10 =	sld [smem:$0x3FBA]  }
0x39: {  	_ = 	snop;
	(pc) =	sbr.ind lr, $3  }
0x3a: {  	_ = 	snop  }
0x3b: {  	_ = 	snop  }
0x3c: {  	p2 =	seq.s32 s10, $0x1;
	s10 =	sld [smem:$0x3FB9]  }
0x3d: {  	_ =	shalt  }
0x3e: {  	_ =	shalt  }
0x3f: {  	_ =	shalt  }
0x40: {  	_ =	shalt  }
0x41: {  	_ =	shalt  }
0x42: {  	_ =	shalt  }
0x43: {  	_ =	shalt  }
0x44: {  	_ =	shalt  }
0x45: {  	_ =	shalt  }
0x46: {  	_ =	shalt  }
0x47: {  	_ =	shalt  }
0x48: {  	_ =	shalt  }
0x49: {  	_ =	shalt  }
0x4a: {  	_ =	shalt  }
0x4b: {  	_ =	shalt  }
0x4c: {  	_ =	shalt  }
0x4d: {  	_ =	shalt  }
0x4e: {  	_ =	shalt  }
0x4f: {  	_ =	shalt  }
0x50: {  	_ =	shalt  }
0x51: {  	_ =	shalt  }
0x52: {  	_ =	shalt  }
0x53: {  	_ =	shalt  }
0x54: {  	_ =	shalt  }
0x55: {  	_ =	shalt  }
0x56: {  	_ =	shalt  }
0x57: {  	_ =	shalt  }
0x58: {  	_ =	shalt  }
0x59: {  	_ =	shalt  }
0x5a: {  	_ =	shalt  }
0x5b: {  	_ =	shalt  }
0x5c: {  	_ =	shalt  }
0x5d: {  	_ =	shalt  }
0x5e: {  	_ =	shalt  }
0x5f: {  	_ =	shalt  }
0x60: {  	_ =	shalt  }
0x61: {  	_ =	shalt  }
0x62: {  	_ =	shalt  }
0x63: {  	_ =	shalt  }
0x64: {  	_ =	shalt  }
0x65: {  	_ =	shalt  }
0x66: {  	_ =	shalt  }
0x67: {  	_ =	shalt  }
0x68: {  	_ =	shalt  }
0x69: {  	_ =	shalt  }
0x6a: {  	_ =	shalt  }
0x6b: {  	_ =	shalt  }
0x6c: {  	_ =	shalt  }
0x6d: {  	_ =	shalt  }
0x6e: {  	_ =	shalt  }
0x6f: {  	_ =	shalt  }
0x70: {  	_ =	shalt  }
0x71: {  	_ =	shalt  }
0x72: {  	_ =	shalt  }
0x73: {  	_ =	shalt  }
0x74: {  	_ =	shalt  }
0x75: {  	_ =	shalt  }
0x76: {  	_ =	shalt  }
0x77: {  	_ =	shalt  }
0x78: {  	_ =	shalt  }
0x79: {  	_ =	shalt  }
0x7a: {  	_ =	shalt  }
0x7b: {  	_ =	shalt  }
0x7c: {  	_ =	shalt  }
0x7d: {  	_ =	shalt  }
0x7e: {  	_ =	shalt  }
0x7f: {  	_ =	shalt  }
0x80: {  	_ =	shalt  }
0x81: {  	_ =	shalt  }
0x82: {  	_ =	shalt  }
0x83: {  	_ =	shalt  }
0x84: {  	_ =	shalt  }
0x85: {  	_ =	shalt  }
0x86: {  	_ =	shalt  }
0x87: {  	_ =	shalt  }
.Lfunc_end0:
.L_simem_size_0:
called_computation_lowered:
.L_overlay_start_0:
0x88: {  	s2 =	sld [smem:$0x3FD9]  }
0x89: {  	s3 =	sld [smem:$0x3FFE];
	_ =	sdelay $0x1  }
0x8a: {  	s1 =	srdreg.scid  }
0x8b: {  	s0 =	sand.u32 $0x1, s1  }
0x8c: {  	s17 =	sshll.u32 s0, $0xA;
	s2 =	sadd.s32 s3, s2  }
0x8d: {  	s2 =	sadd.s32 s2, s17  }
0x8e: {  	[smem:$0x3FC5] =	sst s2  }
0x8f: {  	_ = 	snop  }
0x90: {  	(tm) =	ssettm $0x1  }
0x91: {  	s18 =	sld [smem:$0x3FFB];
	_ =	sdelay $0x3  }
0x92: {  	_ =	strace s18  }
0x93: {  	s2 =	sld [smem:$0x3FFC];
	_ =	sdelay $0x3  }
0x94: {  	_ =	strace s2  }
0x95: {  	s2 =	sld [smem:$0x3FFD];
	_ =	sdelay $0x3  }
0x96: {  	_ =	strace s2  }
0x97: {  	_ =	strace $0x8FFFFFFF  }
0x98: {  	s19 =	sld [smem:$0x3FDB];
	_ =	sdelay $0x1  }
0x99: {  	s20 =	simm.s32 $_scs_section_size  }
0x9a: {  	s4 =	simm.s32 $_size__tile_overlayer_lowered;
	s5 =	simm.s32 $_tile_overlayer_lowered  }
0x9b: {  	s6 =	simm.s32 $0x1BFF;
	s21 =	sshll.u32 s5, $0x1;
	s3 =	sadd.s32 s20, s19  }
0x9c: {  	s22 =	simm.s32 $0x0;
	s4 =	sshll.u32 s4, $0x1;
	s5 =	sadd.s32 s21, s3  }
0x9d: {  	[timem:s22], [sflag:s6] =	dma.local [hbm:s5], s4  }
0x9e: {  	_ =	swait.ge [sflag:s6], s4  }
0x9f: {  	s4 =	ssub.s32 $0x0, s4;
	[sflag:s6] =	ssyncset.done $0x0  }
0xa0: {  	[sflag:s6] =	ssyncadd.s32 s4;
	_ =	sdelay $0x1  }
0xa1: {  	s23 =	simm.s32 $0x1B8B  }
0xa2: {  	_ =	swait.ge [sflag:s23], $0x1  }
0xa3: {  	[sflag:s23] =	ssyncset.done $0x0  }
0xa4: {  	[sflag:s23] =	ssyncadd.s32 $0xFFFFFFFF  }
0xa5: {  	s4 =	sld [smem:$0x0]  }
0xa6: {  	s5 =	sand.u32 $0xFFFFFFFE, s1  }
0xa7: {  	p0 =	sne.s32 s1, s5  }
0xa8: {  	s5 =	sshll.u32 @p0 s5, $0xE  }
0xa9: {  	s5 =	sadd.s32 @p0 $0x11B8D, s5;
	s6 =	sshll.u32 @p0 s4, $0x11  }
0xaa: {  	s5 =	sor.u32 @p0 s6, s5  }
0xab: {  	[sflag:s5] =	ssyncadd.remote.s32 @p0 $0x1;
	_ =	sdelay $0x1  }
0xac: {  	s5 =	simm.s32 @p0 $0x1B8D  }
0xad: {  	_ =	swait.eq @p0 [sflag:s5], $0x1  }
0xae: {  	[sflag:s5] =	ssyncadd.s32 @p0 $0xFFFFFFFF  }
0xaf: {  	s6 =	sshll.u32 @!p0 s1, $0xE  }
0xb0: {  	s6 =	sor.u32 @!p0 $0x4000, s6;
	s5 =	simm.s32 @!p0 $0x1B8D  }
0xb1: {  	s4 =	sshll.u32 @!p0 s4, $0x11;
	s6 =	sadd.s32 @!p0 $0x11B8D, s6;
	_ =	swait.eq @!p0 [sflag:s5], $0x1  }
0xb2: {  	s4 =	sor.u32 @!p0 s4, s6;
	[sflag:s5] =	ssyncadd.s32 @!p0 $0xFFFFFFFF  }
0xb3: {  	s25 =	simm.s32 $0x1B8E;
	s24 =	sld [smem:$0x3FFE];
	[sflag:s4] =	ssyncadd.remote.s32 @!p0 $0x1  }
0xb4: {  	s26 =	simm.s32 $execute0_lowered;
	[smem:$0x3FD2] =	sst s25  }
0xb5: {  	s5 =	sshll.u32 s26, $0x1;
	_ =	strace $0x80000049;
	[dreg:$0x1] =	wrdreg $0xFFFFFFFF  }
0xb6: {  	s28 =	simm.s32 $_size_execute0_lowered;
	s3 =	sadd.s32 s3, s5;
	[dreg:$0x0] =	wrdreg $0x0  }
0xb7: {  	s5 =	sshll.u32 s28, $0x1;
	[dreg:$0x2] =	wrdreg s3  }
0xb8: {  	[dreg:$0x3] =	wrdreg s5  }
0xb9: {  	[dreg:$0x4] =	wrdreg $0xC0  }
0xba: {  	_ =	task [dreg:s22], $0x5FFFF  }
0xbb: {  	[dreg:$0x1] =	wrdreg $0xFFFFFFFF  }
0xbc: {  	[dreg:$0x0] =	wrdreg $0x60  }
0xbd: {  	[dreg:$0x2] =	wrdreg s24  }
0xbe: {  	[dreg:$0x3] =	wrdreg $0x9  }
0xbf: {  	_ =	task.clear_ibuf [dreg:s22], $0x4FFFF;
	_ =	strace $0x90000049  }
0xc0: {  	s29 =	simm.s32 $0x9;
	_ =	strace $0x8000004B  }
0xc1: {  	_ =	swait.ge [sflag:s29], $0x1  }
0xc2: {  	[sflag:s29] =	ssyncadd.s32 $0xFFFFFFFF  }
0xc3: {  	_ =	strace $0x9000004B  }
0xc4: {  	_ =	sfence  }
0xc5: {  	s30 =	sld [smem:$0x0];
	_ =	sdelay $0x2  }
0xc6: {  	s31 =	sshll.u32 s1, $0xD;
	s1 =	sshrl.u32 s1, $0x2  }
0xc7: {  	s4 =	sand.u32 $0x4000, s31;
	s1 =	sadd.s32 s1, s30  }
0xc8: {  	s0 =	sor.u32 s4, s0;
	s1 =	sshll.u32 s1, $0x11  }
0xc9: {  	s0 =	sor.u32 s1, s0  }
0xca: {  	s0 =	sadd.s32 $0x8F2B, s0  }
0xcb: {  	[sflag:s0] =	ssyncadd.remote.s32 $0x1  }
0xcc: {  	_ =	sfence.sel $0xFFFF  }
0xcd: {  	[dreg:$0x0] =	wrdreg $0xFFFFFFFF;
	(pc) =	sbr.abs _section_cstart, $3  }
0xce: {  	[dreg:$0x1] =	wrdreg $0xFFFFFFFF  }
0xcf: {  	_ =	task.clear_ibuf [dreg:s22], $0x2FFFF;
	_ =	strace $0x9FFFFFFF  }
0xd0: {  	(tm) =	ssettm $0x7FFFFFFF  }
0xd1: {  	_ =	shalt  }
tec
execute0_lowered:
.L_overlay_start_1:
0x0: {  	(tag) =	ssettag $0x1  }
0x1: {  	s0 =	srdreg.scid;
	s2 =	rddreg [dreg:$0x0]  }
0x2: {  	s1 =	stileid.u32;
	s5 =	simm.s32 $0x2;
	s9 =	simm.s32 $0x3  }
0x3: {  	s3 =	sshll.u32 s0, $0x4;
	s0 =	rddreg [dreg:$0x1];
	_ =	strace $0x8000004A  }
.Ltmp0:
0x4: {  	s4 =	sand.u32 $0x10, s3;
	s3 =	simm.s32 $0x1;
	(pc) =	sbr.rel .LBB2_1-.Ltmp0, $4  }
0x5: {  	s12 =	simm.s32 $0x0;
	s4 =	sor.u32 s1, s4;
	[sflag:s3] =	ssyncpa.u1 $0x0  }
0x6: {  	s10 =	simm.s32 $0x0;
	s4 =	smul.u32 $0x180, s4;
	[sflag:s5] =	ssyncpa.u1 $0x0  }
0x7: {  	s6 =	sadd.s32 $0xCCA00, s2;
	s7 =	sadd.s32 $0x168E00, s2;
	[sflag:s9] =	ssyncpa.u1 $0x0  }
0x8: {  	v0 =	vimm.s32 $0x0;
	vm0 =	vmmov $0xff;
	vm1 =	vcmask $0x3F20;
	s9 =	simm.s32 $0x180;
	s8 =	sadd.s32 $0x180, s4;
	s11 =	smov.u32 s4  }
.LBB2_10:
0x9: {  	s12 =	sshrl.u32 s11, $0x3  }
0xa: {  	s13 =	sand.u32 $0x7, s11;
	s12 =	sadd.s32 s2, s12  }
0xb: {  	[tilespmem:s9], [sflag:$0x2] =	stream.linear.gather [hbm4b:s12+s13], $0x180, $0x38;
	[tilespmem:$0x18300] =	vst v63  }
.LBB2_8:
0xc: {  	s12 =	sadd.s32 $0x180, s11  }
0xd: {  	s13 =	smov.u32 s4;
	p0 =	slt.s32 s12, s8  }
0xe: {  	s13 =	smov.u32 @p0 s12  }
0xf: {  	s10 =	sadd.s32 $0x1, s10;
	s12 =	smov.u32 s11;
	s11 =	smov.u32 s13  }
.LBB2_1:
0x10: {  	p0 =	seq.s32 s10, $0x0  }
.Ltmp1:
0x11: {  	_ = 	snop;
	(pc) =	sbr.rel @p0 .LBB2_10-.Ltmp1, $1  }
0x12: {  	_ =	sdelay $0x3  }
0x13: {  	p0 =	seq.s32 s10, $0x1  }
.Ltmp2:
0x14: {  	_ = 	snop;
	(pc) =	sbr.rel @!p0 .LBB2_9-.Ltmp2, $1  }
0x15: {  	_ =	sdelay $0x3  }
0x16: {  	_ =	swait.ge [sflag:s5], $0x180  }
0x17: {  	[sflag:s5] =	ssyncset.done $0x0  }
0x18: {  	s13 =	simm.s32 $0x0;
	[sflag:s5] =	ssyncadd.s32 $0xFFFFFE80  }
0x19: {  	v1 =	vld.msk [tilespmem:s13+$0x180 ss:$0x1], $0xffff;
	_ =	sdelay $0x4  }
0x1a: {  	v2 =	vand.u32 $0x1, v1;
	v3 =	vshll.u32 v1, $0x6  }
0x1b: {  	vm2 =	veq.s32 v1, $0x80000000;
	vm3 =	veq.s32 v2, $0x1;
	v1 =	vand.u32 $0x3FFF80, v3  }
0x1c: {  	v2 =	vsel vm3, $0x271000, v0;
	v1 =	vsel vm2, $0xFFFFFF80, v1  }
0x1d: {  	v2 =	vsel vm2, $0xFFD8F000, v2;
	v3 =	vand.u32 $0xFFFFFC00, v1  }
0x1e: {  	v1 =	vand.u32 $0x380, v1;
	v2 =	vadd.s32 v2, v3  }
0x1f: {  	v1 =	vor.u32 v1, v2  }
0x20: {  	v1 =	vshrl.u32 v1, $0x3;
	_ =	sdelay $0x3  }
0x21: {  	s13 =	simm.s32 $0xC300  }
0x22: {  	[tilespmem:s13], [sflag:$0x1] =	stream.indirect_vreg.gather [hbm:s6], $0x80, v1, vm0, $0x38;
	[tilespmem:$0x18300] =	vst v63  }
0x23: {  	s14 =	simm.s32 $0xC700;
	s31 =	simm.s32 $0x10  }
0x24: {  	[tilespmem:s14], [sflag:$0x1] =	stream.indirect_vreg.gather [hbm:s6], $0x80, v1, vm1, $0x38;
	[tilespmem:$0x18300] =	vst v63  }
0x25: {  	s14 =	simm.s32 $0x80;
	v1 =	vld.msk [tilespmem:s31+$0x180 ss:$0x1], $0xffff  }
.LBB2_4:
0x26: {  	p0 =	sne.s32 s14, $0x5C0;
	_ =	sdelay $0x4  }
0x27: {  	v2 =	vand.u32 $0x1, v1;
	v3 =	vshll.u32 v1, $0x6  }
0x28: {  	vm2 =	veq.s32 v1, $0x80000000;
	vm3 =	veq.s32 v2, $0x1;
	v1 =	vand.u32 $0x3FFF80, v3  }
0x29: {  	v2 =	vsel vm3, $0x271000, v0;
	v1 =	vsel vm2, $0xFFFFFF80, v1  }
0x2a: {  	v2 =	vsel vm2, $0xFFD8F000, v2;
	v3 =	vand.u32 $0xFFFFFC00, v1  }
0x2b: {  	v1 =	vand.u32 $0x380, v1;
	v2 =	vadd.s32 v2, v3  }
0x2c: {  	v1 =	vor.u32 v1, v2  }
0x2d: {  	v1 =	vshrl.u32 v1, $0x3;
	_ =	sdelay $0x3  }
.Ltmp3:
0x2e: {  	s13 =	sadd.s32 $0x800, s13;
	(pc) =	sbr.rel @p0 .LBB2_4-.Ltmp3, $4  }
0x2f: {  	[tilespmem:s13], [sflag:$0x1] =	stream.indirect_vreg.gather [hbm:s6], $0x80, v1, vm0, $0x38;
	[tilespmem:$0x18300] =	vst v63  }
0x30: {  	s15 =	sshra.s32 s14, $0x2;
	s16 =	sadd.s32 $0x400, s13  }
0x31: {  	[tilespmem:s16], [sflag:$0x1] =	stream.indirect_vreg.gather [hbm:s6], $0x80, v1, vm1, $0x38;
	[tilespmem:$0x18300] =	vst v63  }
0x32: {  	s14 =	sadd.s32 $0x40, s14;
	v1 =	vld.msk [tilespmem:s15+$0x180 ss:$0x1], $0xffff  }
0x33: {  	_ =	sdelay $0x3  }
0x34: {  	v2 =	vand.u32 $0x1, v1;
	v3 =	vshll.u32 v1, $0x6  }
0x35: {  	vm2 =	veq.s32 v1, $0x80000000;
	vm3 =	veq.s32 v2, $0x1;
	v1 =	vand.u32 $0x3FFF80, v3  }
0x36: {  	v2 =	vsel vm3, $0x271000, v0;
	v1 =	vsel vm2, $0xFFFFFF80, v1  }
0x37: {  	v2 =	vsel vm2, $0xFFD8F000, v2;
	v3 =	vand.u32 $0xFFFFFC00, v1  }
0x38: {  	v1 =	vand.u32 $0x380, v1;
	v2 =	vadd.s32 v2, v3  }
0x39: {  	v1 =	vor.u32 v1, v2  }
0x3a: {  	v1 =	vshrl.u32 v1, $0x3;
	_ =	sdelay $0x3  }
0x3b: {  	s13 =	sadd.s32 $0x800, s13  }
0x3c: {  	[tilespmem:s13], [sflag:$0x1] =	stream.indirect_vreg.gather [hbm:s6], $0x80, v1, vm0, $0x38;
	[tilespmem:$0x18300] =	vst v63  }
0x3d: {  	s13 =	sadd.s32 $0x400, s13  }
0x3e: {  	[tilespmem:s13], [sflag:$0x1] =	stream.indirect_vreg.gather [hbm:s6], $0x80, v1, vm1, $0x38;
	[tilespmem:$0x18300] =	vst v63  }
0x3f: {  	s12 =	sshll.u32 s12, $0x4;
	s14 =	simm.s32 $0x80;
	_ =	swait.ge [sflag:s3], $0xC000  }
0x40: {  	s15 =	simm.s32 $0xC700;
	s12 =	sadd.s32 s12, s7;
	[sflag:s3] =	ssyncset.done $0x0  }
0x41: {  	s16 =	sadd.s32 $0x0, s12;
	s13 =	simm.s32 $0xC300;
	[sflag:s3] =	ssyncadd.s32 $0xFFFF4000  }
.LBB2_6:
0x42: {  	[hbm:s16] =	stream.linear.scatter [tilespmem:s13], [sflag:$0x3], $0x400, $0x38;
	[tilespmem:$0x18300] =	vst v63  }
0x43: {  	s16 =	smov.u32 s14;
	s13 =	smov.u32 s15;
	p0 =	seq.s32 s14, $0x1780  }
.Ltmp4:
0x44: {  	s14 =	sadd.s32 $0x80, s14;
	(pc) =	sbr.rel @!p0 .LBB2_6-.Ltmp4, $2  }
0x45: {  	_ =	sdelay $0x2  }
0x46: {  	s15 =	sadd.s32 $0x400, s15;
	s16 =	sadd.s32 s16, s12  }
.Ltmp5:
0x47: {  	(pc) =	sbr.rel .LBB2_8-.Ltmp5, $2  }
0x48: {  	_ =	sdelay $0x2  }
0x49: {  	[hbm:s16] =	stream.linear.scatter [tilespmem:s13], [sflag:$0x3], $0x400, $0x38;
	[tilespmem:$0x18300] =	vst v63  }
.LBB2_9:
0x4a: {  	s2 =	simm.s32 $0x3  }
0x4b: {  	_ =	swait.ge [sflag:s2], $0xC000  }
0x4c: {  	[sflag:s2] =	ssyncset.done $0x0  }
0x4d: {  	[sflag:s2] =	ssyncadd.s32 $0xFFFF4000  }
0x4e: {  	_ =	sfence.sel $0x180000  }
0x4f: {  	s3 =	simm.s32 $0x2;
	[bflag:$0x0] =	sbarrier.arrive $0xFFFF  }
0x50: {  	[sflag:s3] =	ssyncpa.u1 $0x1  }
0x51: {  	s31 =	simm.s32 $0x1;
	[sflag:s2] =	ssyncpa.u1 $0x1  }
0x52: {  	[sflag:s31] =	ssyncpa.u1 $0x1  }
0x53: {  	p0 =	sne.s32 s1, $0x0;
	_ =	strace $0x9000004A  }
0x54: {  	s0 =	sadd.s32 @!p0 $0x100000, s0;
	[bflag:$0x2] =	sbarrier.arrive $0xFFFF  }
0x55: {  	[sflag:s0] =	ssyncadd.tile.s32 @!p0 $0x1;
	_ =	shalt  }
.Lfunc_end2:
_tile_overlayer_lowered:
.L_overlay_start_2:
0x56: {  	(tag) =	ssettag $0x2  }
0x57: {  	s0 =	rddreg [dreg:$0x0];
	s2 =	stileid.u32  }
0x58: {  	s1 =	rddreg [dreg:$0x1];
	p0 =	sne.s32 s2, $0x0  }
0x59: {  	s3 =	rddreg [dreg:$0x2];
	[bflag:$0x3] =	sbarrier.arrive $0xFFFF;
	s2 =	simm.s32 @!p0 $0x1C01  }
0x5a: {  	[timem:s3], [sflag:s2] =	dma.local @!p0 [hbm:s0], s1  }
0x5b: {  	s0 =	simm.s32 @!p0 $0x1  }
0x5c: {  	_ =	swait.ge @!p0 [sflag:s0], s1  }
0x5d: {  	s1 =	ssub.s32 @!p0 $0x0, s1;
	[sflag:s0] =	ssyncset.done @!p0 $0x0  }
0x5e: {  	[sflag:s0] =	ssyncadd.s32 @!p0 s1  }
0x5f: {  	[bflag:$0x3] =	sbarrier.arrive $0xFFFF  }
0x60: {  	_ =	shalt  }

</sc_bundles>
